<compile_context>
chip_gen: v7x
topology: tpu7x:2x2x1
jax: 0.10.2.dev20260603
libtpu: 0.0.44.dev20260713+nightly
codegen_flags: <defaults>
</compile_context>

<pallas_src>
import functools
import jax
import jax.numpy as jnp
from jax import lax
from jax.experimental import pallas as pl
from jax.experimental.pallas import tpu as pltpu
from jax.experimental.pallas import tpu_sc as plsc

N = 10000
E = 320000
D = 128
NOUT = 40
NC, NS = 2, 16
NW = NC * NS
K = 128
NP = 10240
ROWS_PER_SUB = NP // NS
EP = ((E + NW * K - 1) // (NW * K)) * (NW * K)
EPW = EP // NW
NITER = EPW // K
R = 2048
GRID = NP // R


def _deg_body(dst_hbm, out_hbm, idx_v, ones_v, zer_v, acc_sh, sem):
    c = lax.axis_index("c")
    s = lax.axis_index("s")
    wid = s * NC + c
    for j in range(K // 16):
        ones_v[pl.ds(j * 16, 16)] = jnp.ones((16,), jnp.float32)
    for j in range(ROWS_PER_SUB // 16):
        zer_v[pl.ds(j * 16, 16)] = jnp.zeros((16,), jnp.float32)
    pltpu.sync_copy(zer_v, acc_sh.at[pl.ds(s * ROWS_PER_SUB, ROWS_PER_SUB)])
    plsc.subcore_barrier()

    base = wid * EPW

    def body(i, carry):
        off = pl.multiple_of(base + i * K, 8)
        pltpu.sync_copy(dst_hbm.at[pl.ds(off, K)], idx_v)
        pltpu.sync_copy(ones_v, acc_sh.at[idx_v], add=True)
        return carry

    lax.fori_loop(0, NITER, body, 0)
    plsc.subcore_barrier()
    pltpu.sync_copy(acc_sh.at[pl.ds(s * ROWS_PER_SUB, ROWS_PER_SUB)],
                    out_hbm.at[c, pl.ds(s * ROWS_PER_SUB, ROWS_PER_SUB)])


_deg_kernel = functools.partial(
    pl.kernel,
    out_type=jax.ShapeDtypeStruct((NC, NP), jnp.float32),
    mesh=plsc.VectorSubcoreMesh(core_axis_name="c", subcore_axis_name="s"),
    scratch_types=[
        pltpu.VMEM((K,), jnp.int32),
        pltpu.VMEM((K,), jnp.float32),
        pltpu.VMEM((ROWS_PER_SUB,), jnp.float32),
        pltpu.VMEM_SHARED((NP,), jnp.float32),
        pltpu.SemaphoreType.DMA,
    ],
)(_deg_body)


def _prop_body(g_hbm, src_hbm, dst_hbm, out_hbm, src_v, dst_v, rows_v, acc_sh, sem):
    c = lax.axis_index("c")
    s = lax.axis_index("s")
    wid = s * NC + c

    def zbody(i, carry):
        for j in range(D // 16):
            rows_v[i, pl.ds(j * 16, 16)] = jnp.zeros((16,), jnp.float32)
        return carry

    lax.fori_loop(0, K, zbody, 0)
    for t in range(ROWS_PER_SUB // K):
        pltpu.sync_copy(rows_v, acc_sh.at[pl.ds(s * ROWS_PER_SUB + t * K, K)])
    plsc.subcore_barrier()

    base = wid * EPW

    def body(i, carry):
        off = pl.multiple_of(base + i * K, 8)
        pltpu.sync_copy(src_hbm.at[pl.ds(off, K)], src_v)
        pltpu.sync_copy(dst_hbm.at[pl.ds(off, K)], dst_v)
        pltpu.async_copy(g_hbm.at[src_v], rows_v, sem).wait()
        pltpu.sync_copy(rows_v, acc_sh.at[dst_v], add=True)
        return carry

    lax.fori_loop(0, NITER, body, 0)
    plsc.subcore_barrier()
    pltpu.sync_copy(acc_sh.at[pl.ds(s * ROWS_PER_SUB, ROWS_PER_SUB)],
                    out_hbm.at[c, pl.ds(s * ROWS_PER_SUB, ROWS_PER_SUB)])


_prop_kernel = functools.partial(
    pl.kernel,
    out_type=jax.ShapeDtypeStruct((NC, NP, D), jnp.float32),
    mesh=plsc.VectorSubcoreMesh(core_axis_name="c", subcore_axis_name="s"),
    scratch_types=[
        pltpu.VMEM((K,), jnp.int32),
        pltpu.VMEM((K,), jnp.int32),
        pltpu.VMEM((K, D), jnp.float32),
        pltpu.VMEM_SHARED((NP, D), jnp.float32),
        pltpu.SemaphoreType.DMA,
    ],
)(_prop_body)


def _dis_block(degp_ref):
    deg = degp_ref[0, :] + degp_ref[1, :] + 1.0
    return lax.rsqrt(deg)


def _valid_mask(i):
    rows = lax.broadcasted_iota(jnp.int32, (R, 1), 0) + i * R
    return rows < N


def _b1_body(x_ref, degp_ref, w_ref, g_ref):
    i = pl.program_id(0)
    dis = _dis_block(degp_ref)
    h = jnp.dot(x_ref[...], w_ref[...], preferred_element_type=jnp.float32)
    g_ref[...] = jnp.where(_valid_mask(i), dis[:, None] * h, 0.0)


def _b2_body(s_ref, g_ref, degp_ref, b_ref, w_ref, g2_ref, cs_ref):
    i = pl.program_id(0)
    dis = _dis_block(degp_ref)
    tot = s_ref[0] + s_ref[1] + g_ref[...]
    x1 = jnp.maximum(dis[:, None] * tot + b_ref[...], 0.0)
    x1 = jnp.where(_valid_mask(i), x1, 0.0)

    @pl.when(i == 0)
    def _():
        cs_ref[...] = jnp.zeros_like(cs_ref)

    cs_ref[...] += jnp.sum(x1, axis=0, keepdims=True)
    h2 = jnp.dot(x1, w_ref[...], preferred_element_type=jnp.float32)
    g2_ref[...] = dis[:, None] * h2


def _b3_body(s_ref, g_ref, degp_ref, b_ref, cs_ref):
    i = pl.program_id(0)
    dis = _dis_block(degp_ref)
    tot = s_ref[0] + s_ref[1] + g_ref[...]
    x2 = jnp.maximum(dis[:, None] * tot + b_ref[...], 0.0)
    x2 = jnp.where(_valid_mask(i), x2, 0.0)

    @pl.when(i == 0)
    def _():
        cs_ref[...] = jnp.zeros_like(cs_ref)

    cs_ref[...] += jnp.sum(x2, axis=0, keepdims=True)


def _b4_body(cs1_ref, cs2_ref, linw_ref, linb_ref, fcw_ref, fcb_ref, o_ref):
    m1 = cs1_ref[...] * (1.0 / N)
    m2 = cs2_ref[...] * (1.0 / N)
    pooled = (jnp.dot(m1, linw_ref[0:D, :], preferred_element_type=jnp.float32)
              + jnp.dot(m2, linw_ref[D:2 * D, :], preferred_element_type=jnp.float32)
              + linb_ref[...])
    logits = jnp.dot(pooled, fcw_ref[...], preferred_element_type=jnp.float32) + fcb_ref[...]
    e = jnp.exp(logits - jnp.max(logits, axis=1, keepdims=True))
    o_ref[...] = e / jnp.sum(e, axis=1, keepdims=True)


_spec_rows = pl.BlockSpec((R, D), lambda i: (i, 0))
_spec_degp = pl.BlockSpec((2, R), lambda i: (0, i))
_spec_w = pl.BlockSpec((D, D), lambda i: (0, 0))
_spec_b = pl.BlockSpec((1, D), lambda i: (0, 0))
_spec_s = pl.BlockSpec((2, R, D), lambda i: (0, i, 0))
_spec_cs = pl.BlockSpec((1, D), lambda i: (0, 0))

_b1_call = pl.pallas_call(
    _b1_body,
    grid=(GRID,),
    in_specs=[_spec_rows, _spec_degp, _spec_w],
    out_specs=_spec_rows,
    out_shape=jax.ShapeDtypeStruct((NP, D), jnp.float32),
)

_b2_call = pl.pallas_call(
    _b2_body,
    grid=(GRID,),
    in_specs=[_spec_s, _spec_rows, _spec_degp, _spec_b, _spec_w],
    out_specs=[_spec_rows, _spec_cs],
    out_shape=[jax.ShapeDtypeStruct((NP, D), jnp.float32),
               jax.ShapeDtypeStruct((1, D), jnp.float32)],
)

_b3_call = pl.pallas_call(
    _b3_body,
    grid=(GRID,),
    in_specs=[_spec_s, _spec_rows, _spec_degp, _spec_b],
    out_specs=_spec_cs,
    out_shape=jax.ShapeDtypeStruct((1, D), jnp.float32),
)

_b4_call = pl.pallas_call(
    _b4_body,
    in_specs=[pl.BlockSpec((1, D), lambda: (0, 0)),
              pl.BlockSpec((1, D), lambda: (0, 0)),
              pl.BlockSpec((2 * D, D), lambda: (0, 0)),
              pl.BlockSpec((1, D), lambda: (0, 0)),
              pl.BlockSpec((D, NOUT), lambda: (0, 0)),
              pl.BlockSpec((1, NOUT), lambda: (0, 0))],
    out_specs=pl.BlockSpec((1, NOUT), lambda: (0, 0)),
    out_shape=jax.ShapeDtypeStruct((1, NOUT), jnp.float32),
)


@jax.jit
def kernel(x, edge_index, W1, b1, W2, b2, lin_W, lin_b, fc_W, fc_b):
    src = edge_index[0].astype(jnp.int32)
    dst = edge_index[1].astype(jnp.int32)
    pad = EP - E
    srcp = jnp.concatenate([src, jnp.zeros((pad,), jnp.int32)])
    dstp = jnp.concatenate(
        [dst, N + (jnp.arange(pad, dtype=jnp.int32) % (NP - N))])

    degp = _deg_kernel(dstp)
    g1 = _b1_call(x, degp, W1)
    s1 = _prop_kernel(g1, srcp, dstp)
    g2, cs1 = _b2_call(s1, g1, degp, b1.reshape(1, D), W2)
    s2 = _prop_kernel(g2, srcp, dstp)
    cs2 = _b3_call(s2, g2, degp, b2.reshape(1, D))
    out = _b4_call(cs1, cs2, lin_W, lin_b.reshape(1, D),
                   fc_W, fc_b.reshape(1, NOUT))
    return out

# --- scband reference (transcript-rebuilt; emitter-appended) ---
"""Pipeline reference for scband-gcnmodel-32143535243970 (READ-ONLY COPY).

The authoritative reference and input builder live on the scoring server;
editing this copy changes nothing except your own understanding.
"""

import jax, jax.numpy as jnp
import numpy as np

N_NODES = 10000
N_EDGES = 320000
D_IN = 128
D_HID = 128
D_OUT = 40


def setup_inputs(seed: int = 0) -> dict:
    key = jax.random.key(seed)
    ks = jax.random.split(key, 12)
    x = jax.random.normal(ks[0], (N_NODES, D_IN), dtype=jnp.float32)
    edge_index = jax.random.randint(ks[1], (2, N_EDGES), 0, N_NODES, dtype=jnp.int64 if jax.config.jax_enable_x64 else jnp.int32)
    W1 = jax.random.normal(ks[2], (D_IN, D_HID), dtype=jnp.float32) * (1.0 / np.sqrt(D_IN))
    b1 = jnp.zeros((D_HID,), dtype=jnp.float32)
    W2 = jax.random.normal(ks[3], (D_HID, D_HID), dtype=jnp.float32) * (1.0 / np.sqrt(D_HID))
    b2 = jnp.zeros((D_HID,), dtype=jnp.float32)
    # JK='cat' projection: Linear(num_layers*hidden -> hidden)
    lin_W = jax.random.normal(ks[4], (2 * D_HID, D_HID), dtype=jnp.float32) * (1.0 / np.sqrt(2 * D_HID))
    lin_b = jnp.zeros((D_HID,), dtype=jnp.float32)
    fc_W = jax.random.normal(ks[5], (D_HID, D_OUT), dtype=jnp.float32) * (1.0 / np.sqrt(D_HID))
    fc_b = jnp.zeros((D_OUT,), dtype=jnp.float32)
    return {"x": x, "edge_index": edge_index, "W1": W1, "b1": b1, "W2": W2, "b2": b2,
            "lin_W": lin_W, "lin_b": lin_b, "fc_W": fc_W, "fc_b": fc_b}


def _gcn_conv(x, src_all, dst_all, norm, W, b):
    # GCNConv: x' = D^{-1/2}(A+I)D^{-1/2} (x W) + b
    h = x @ W
    msg = jnp.take(h, src_all, axis=0) * norm[:, None]
    out = jnp.zeros((x.shape[0], W.shape[1]), dtype=x.dtype).at[dst_all].add(msg)
    return out + b


def reference(x, edge_index, W1, b1, W2, b2, lin_W, lin_b, fc_W, fc_b):
    N = x.shape[0]
    src, dst = edge_index[0], edge_index[1]
    loop = jnp.arange(N, dtype=src.dtype)
    src_all = jnp.concatenate([src, loop])
    dst_all = jnp.concatenate([dst, loop])
    deg = jnp.zeros((N,), dtype=jnp.float32).at[dst_all].add(1.0)
    dis = jnp.where(deg > 0, deg ** -0.5, 0.0)
    norm = jnp.take(dis, src_all) * jnp.take(dis, dst_all)
    # layer 1 + ReLU (dropout is identity at inference)
    x1 = jax.nn.relu(_gcn_conv(x, src_all, dst_all, norm, W1, b1))
    # layer 2 + ReLU
    x2 = jax.nn.relu(_gcn_conv(x1, src_all, dst_all, norm, W2, b2))
    # JumpingKnowledge 'cat' + final lin of the GCN backbone
    hjk = jnp.concatenate([x1, x2], axis=1) @ lin_W + lin_b
    # global_mean_pool with batch=None -> single graph
    pooled = jnp.mean(hjk, axis=0, keepdims=True)
    out = jax.nn.softmax(pooled @ fc_W + fc_b, axis=1)
    return out

if __name__ == "__main__":
    import jax
    _d = setup_inputs()
    print(jax.jit(kernel)(*tuple(_d.values())))

</pallas_src>

<mosaic_0001>
#map = affine_map<(d0, d1) -> (0)>
#map1 = affine_map<(d0, d1) -> (0, 0)>
module attributes {stable_mosaic.version = 14 : i64} {
  func.func @_deg_body(%arg0: i32, %arg1: i32, %arg2: memref<323584xi32, #tpu.memory_space<hbm>>, %arg3: memref<2x10240xf32, #tpu.memory_space<hbm>>, %arg4: memref<128xi32, #tpu.memory_space<vmem>>, %arg5: memref<128xf32, #tpu.memory_space<vmem>>, %arg6: memref<640xf32, #tpu.memory_space<vmem>>, %arg7: memref<10240xf32, #tpu.memory_space<vmem_shared>>, %arg8: memref<!tpu.dma_semaphore, #tpu.memory_space<semaphore_mem>>) attributes {dimension_semantics = [#tpu.dimension_semantics<core_parallel>, #tpu.dimension_semantics<subcore_parallel>], iteration_bounds = array<i64: 2, 16>, scalar_prefetch = 0 : i64, scratch_operands = 5 : i64, tpu.core_type = #tpu.core_type<sc_vector_subcore>, window_params = [{transform_indices = #map}, {transform_indices = #map1}]} {
    %mul3A = arith.constant 2 : i32
    %mul3A_0 = arith.muli %arg1, %mul3A : i32
    %add3A = arith.addi %mul3A_0, %arg0 : i32
    %broadcast_in_dim3A = arith.constant 1.000000e+00 : f32
    %broadcast_in_dim3A_1 = vector.broadcast %broadcast_in_dim3A : f32 to vector<16xf32>
    %swap3A = arith.constant 0 : index
    %swap3A_2 = tpu.vector_load %arg5[%swap3A] {strides = array<i32>} : memref<128xf32, #tpu.memory_space<vmem>>, vector<16xf32>,
    %swap3A_3 = vector.shape_cast %swap3A_2 : vector<16xf32> to vector<16xf32>
    %swap3A_4 = vector.shape_cast %broadcast_in_dim3A_1 : vector<16xf32> to vector<16xf32>
    tpu.vector_store %arg5[%swap3A], %swap3A_4 {strides = array<i32>} : memref<128xf32, #tpu.memory_space<vmem>>, vector<16xf32>,
    %broadcast_in_dim3A_5 = arith.constant 1.000000e+00 : f32
    %broadcast_in_dim3A_6 = vector.broadcast %broadcast_in_dim3A_5 : f32 to vector<16xf32>
    %swap3A_7 = arith.constant 16 : index
    %swap3A_8 = tpu.vector_load %arg5[%swap3A_7] {strides = array<i32>} : memref<128xf32, #tpu.memory_space<vmem>>, vector<16xf32>,
    %swap3A_9 = vector.shape_cast %swap3A_8 : vector<16xf32> to vector<16xf32>
    %swap3A_10 = vector.shape_cast %broadcast_in_dim3A_6 : vector<16xf32> to vector<16xf32>
    tpu.vector_store %arg5[%swap3A_7], %swap3A_10 {strides = array<i32>} : memref<128xf32, #tpu.memory_space<vmem>>, vector<16xf32>,
    %broadcast_in_dim3A_11 = arith.constant 1.000000e+00 : f32
    %broadcast_in_dim3A_12 = vector.broadcast %broadcast_in_dim3A_11 : f32 to vector<16xf32>
    %swap3A_13 = arith.constant 32 : index
    %swap3A_14 = tpu.vector_load %arg5[%swap3A_13] {strides = array<i32>} : memref<128xf32, #tpu.memory_space<vmem>>, vector<16xf32>,
    %swap3A_15 = vector.shape_cast %swap3A_14 : vector<16xf32> to vector<16xf32>
    %swap3A_16 = vector.shape_cast %broadcast_in_dim3A_12 : vector<16xf32> to vector<16xf32>
    tpu.vector_store %arg5[%swap3A_13], %swap3A_16 {strides = array<i32>} : memref<128xf32, #tpu.memory_space<vmem>>, vector<16xf32>,
    %broadcast_in_dim3A_17 = arith.constant 1.000000e+00 : f32
    %broadcast_in_dim3A_18 = vector.broadcast %broadcast_in_dim3A_17 : f32 to vector<16xf32>
    %swap3A_19 = arith.constant 48 : index
    %swap3A_20 = tpu.vector_load %arg5[%swap3A_19] {strides = array<i32>} : memref<128xf32, #tpu.memory_space<vmem>>, vector<16xf32>,
    %swap3A_21 = vector.shape_cast %swap3A_20 : vector<16xf32> to vector<16xf32>
    %swap3A_22 = vector.shape_cast %broadcast_in_dim3A_18 : vector<16xf32> to vector<16xf32>
    tpu.vector_store %arg5[%swap3A_19], %swap3A_22 {strides = array<i32>} : memref<128xf32, #tpu.memory_space<vmem>>, vector<16xf32>,
    %broadcast_in_dim3A_23 = arith.constant 1.000000e+00 : f32
    %broadcast_in_dim3A_24 = vector.broadcast %broadcast_in_dim3A_23 : f32 to vector<16xf32>
    %swap3A_25 = arith.constant 64 : index
    %swap3A_26 = tpu.vector_load %arg5[%swap3A_25] {strides = array<i32>} : memref<128xf32, #tpu.memory_space<vmem>>, vector<16xf32>,
    %swap3A_27 = vector.shape_cast %swap3A_26 : vector<16xf32> to vector<16xf32>
    %swap3A_28 = vector.shape_cast %broadcast_in_dim3A_24 : vector<16xf32> to vector<16xf32>
    tpu.vector_store %arg5[%swap3A_25], %swap3A_28 {strides = array<i32>} : memref<128xf32, #tpu.memory_space<vmem>>, vector<16xf32>,
    %broadcast_in_dim3A_29 = arith.constant 1.000000e+00 : f32
    %broadcast_in_dim3A_30 = vector.broadcast %broadcast_in_dim3A_29 : f32 to vector<16xf32>
    %swap3A_31 = arith.constant 80 : index
    %swap3A_32 = tpu.vector_load %arg5[%swap3A_31] {strides = array<i32>} : memref<128xf32, #tpu.memory_space<vmem>>, vector<16xf32>,
    %swap3A_33 = vector.shape_cast %swap3A_32 : vector<16xf32> to vector<16xf32>
    %swap3A_34 = vector.shape_cast %broadcast_in_dim3A_30 : vector<16xf32> to vector<16xf32>
    tpu.vector_store %arg5[%swap3A_31], %swap3A_34 {strides = array<i32>} : memref<128xf32, #tpu.memory_space<vmem>>, vector<16xf32>,
    %broadcast_in_dim3A_35 = arith.constant 1.000000e+00 : f32
    %broadcast_in_dim3A_36 = vector.broadcast %broadcast_in_dim3A_35 : f32 to vector<16xf32>
    %swap3A_37 = arith.constant 96 : index
    %swap3A_38 = tpu.vector_load %arg5[%swap3A_37] {strides = array<i32>} : memref<128xf32, #tpu.memory_space<vmem>>, vector<16xf32>,
    %swap3A_39 = vector.shape_cast %swap3A_38 : vector<16xf32> to vector<16xf32>
    %swap3A_40 = vector.shape_cast %broadcast_in_dim3A_36 : vector<16xf32> to vector<16xf32>
    tpu.vector_store %arg5[%swap3A_37], %swap3A_40 {strides = array<i32>} : memref<128xf32, #tpu.memory_space<vmem>>, vector<16xf32>,
    %broadcast_in_dim3A_41 = arith.constant 1.000000e+00 : f32
    %broadcast_in_dim3A_42 = vector.broadcast %broadcast_in_dim3A_41 : f32 to vector<16xf32>
    %swap3A_43 = arith.constant 112 : index
    %swap3A_44 = tpu.vector_load %arg5[%swap3A_43] {strides = array<i32>} : memref<128xf32, #tpu.memory_space<vmem>>, vector<16xf32>,
    %swap3A_45 = vector.shape_cast %swap3A_44 : vector<16xf32> to vector<16xf32>
    %swap3A_46 = vector.shape_cast %broadcast_in_dim3A_42 : vector<16xf32> to vector<16xf32>
    tpu.vector_store %arg5[%swap3A_43], %swap3A_46 {strides = array<i32>} : memref<128xf32, #tpu.memory_space<vmem>>, vector<16xf32>,
    %broadcast_in_dim3A_47 = arith.constant 0.000000e+00 : f32
    %broadcast_in_dim3A_48 = vector.broadcast %broadcast_in_dim3A_47 : f32 to vector<16xf32>
    %swap3A_49 = arith.constant 0 : index
    %swap3A_50 = tpu.vector_load %arg6[%swap3A_49] {strides = array<i32>} : memref<640xf32, #tpu.memory_space<vmem>>, vector<16xf32>,
    %swap3A_51 = vector.shape_cast %swap3A_50 : vector<16xf32> to vector<16xf32>
    %swap3A_52 = vector.shape_cast %broadcast_in_dim3A_48 : vector<16xf32> to vector<16xf32>
    tpu.vector_store %arg6[%swap3A_49], %swap3A_52 {strides = array<i32>} : memref<640xf32, #tpu.memory_space<vmem>>, vector<16xf32>,
    %broadcast_in_dim3A_53 = arith.constant 0.000000e+00 : f32
    %broadcast_in_dim3A_54 = vector.broadcast %broadcast_in_dim3A_53 : f32 to vector<16xf32>
    %swap3A_55 = arith.constant 16 : index
    %swap3A_56 = tpu.vector_load %arg6[%swap3A_55] {strides = array<i32>} : memref<640xf32, #tpu.memory_space<vmem>>, vector<16xf32>,
    %swap3A_57 = vector.shape_cast %swap3A_56 : vector<16xf32> to vector<16xf32>
    %swap3A_58 = vector.shape_cast %broadcast_in_dim3A_54 : vector<16xf32> to vector<16xf32>
    tpu.vector_store %arg6[%swap3A_55], %swap3A_58 {strides = array<i32>} : memref<640xf32, #tpu.memory_space<vmem>>, vector<16xf32>,
    %broadcast_in_dim3A_59 = arith.constant 0.000000e+00 : f32
    %broadcast_in_dim3A_60 = vector.broadcast %broadcast_in_dim3A_59 : f32 to vector<16xf32>
    %swap3A_61 = arith.constant 32 : index
    %swap3A_62 = tpu.vector_load %arg6[%swap3A_61] {strides = array<i32>} : memref<640xf32, #tpu.memory_space<vmem>>, vector<16xf32>,
    %swap3A_63 = vector.shape_cast %swap3A_62 : vector<16xf32> to vector<16xf32>
    %swap3A_64 = vector.shape_cast %broadcast_in_dim3A_60 : vector<16xf32> to vector<16xf32>
    tpu.vector_store %arg6[%swap3A_61], %swap3A_64 {strides = array<i32>} : memref<640xf32, #tpu.memory_space<vmem>>, vector<16xf32>,
    %broadcast_in_dim3A_65 = arith.constant 0.000000e+00 : f32
    %broadcast_in_dim3A_66 = vector.broadcast %broadcast_in_dim3A_65 : f32 to vector<16xf32>
    %swap3A_67 = arith.constant 48 : index
    %swap3A_68 = tpu.vector_load %arg6[%swap3A_67] {strides = array<i32>} : memref<640xf32, #tpu.memory_space<vmem>>, vector<16xf32>,
    %swap3A_69 = vector.shape_cast %swap3A_68 : vector<16xf32> to vector<16xf32>
    %swap3A_70 = vector.shape_cast %broadcast_in_dim3A_66 : vector<16xf32> to vector<16xf32>
    tpu.vector_store %arg6[%swap3A_67], %swap3A_70 {strides = array<i32>} : memref<640xf32, #tpu.memory_space<vmem>>, vector<16xf32>,
    %broadcast_in_dim3A_71 = arith.constant 0.000000e+00 : f32
    %broadcast_in_dim3A_72 = vector.broadcast %broadcast_in_dim3A_71 : f32 to vector<16xf32>
    %swap3A_73 = arith.constant 64 : index
    %swap3A_74 = tpu.vector_load %arg6[%swap3A_73] {strides = array<i32>} : memref<640xf32, #tpu.memory_space<vmem>>, vector<16xf32>,
    %swap3A_75 = vector.shape_cast %swap3A_74 : vector<16xf32> to vector<16xf32>
    %swap3A_76 = vector.shape_cast %broadcast_in_dim3A_72 : vector<16xf32> to vector<16xf32>
    tpu.vector_store %arg6[%swap3A_73], %swap3A_76 {strides = array<i32>} : memref<640xf32, #tpu.memory_space<vmem>>, vector<16xf32>,
    %broadcast_in_dim3A_77 = arith.constant 0.000000e+00 : f32
    %broadcast_in_dim3A_78 = vector.broadcast %broadcast_in_dim3A_77 : f32 to vector<16xf32>
    %swap3A_79 = arith.constant 80 : index
    %swap3A_80 = tpu.vector_load %arg6[%swap3A_79] {strides = array<i32>} : memref<640xf32, #tpu.memory_space<vmem>>, vector<16xf32>,
    %swap3A_81 = vector.shape_cast %swap3A_80 : vector<16xf32> to vector<16xf32>
    %swap3A_82 = vector.shape_cast %broadcast_in_dim3A_78 : vector<16xf32> to vector<16xf32>
    tpu.vector_store %arg6[%swap3A_79], %swap3A_82 {strides = array<i32>} : memref<640xf32, #tpu.memory_space<vmem>>, vector<16xf32>,
    %broadcast_in_dim3A_83 = arith.constant 0.000000e+00 : f32
    %broadcast_in_dim3A_84 = vector.broadcast %broadcast_in_dim3A_83 : f32 to vector<16xf32>
    %swap3A_85 = arith.constant 96 : index
    %swap3A_86 = tpu.vector_load %arg6[%swap3A_85] {strides = array<i32>} : memref<640xf32, #tpu.memory_space<vmem>>, vector<16xf32>,
    %swap3A_87 = vector.shape_cast %swap3A_86 : vector<16xf32> to vector<16xf32>
    %swap3A_88 = vector.shape_cast %broadcast_in_dim3A_84 : vector<16xf32> to vector<16xf32>
    tpu.vector_store %arg6[%swap3A_85], %swap3A_88 {strides = array<i32>} : memref<640xf32, #tpu.memory_space<vmem>>, vector<16xf32>,
    %broadcast_in_dim3A_89 = arith.constant 0.000000e+00 : f32
    %broadcast_in_dim3A_90 = vector.broadcast %broadcast_in_dim3A_89 : f32 to vector<16xf32>
    %swap3A_91 = arith.constant 112 : index
    %swap3A_92 = tpu.vector_load %arg6[%swap3A_91] {strides = array<i32>} : memref<640xf32, #tpu.memory_space<vmem>>, vector<16xf32>,
    %swap3A_93 = vector.shape_cast %swap3A_92 : vector<16xf32> to vector<16xf32>
    %swap3A_94 = vector.shape_cast %broadcast_in_dim3A_90 : vector<16xf32> to vector<16xf32>
    tpu.vector_store %arg6[%swap3A_91], %swap3A_94 {strides = array<i32>} : memref<640xf32, #tpu.memory_space<vmem>>, vector<16xf32>,
    %broadcast_in_dim3A_95 = arith.constant 0.000000e+00 : f32
    %broadcast_in_dim3A_96 = vector.broadcast %broadcast_in_dim3A_95 : f32 to vector<16xf32>
    %swap3A_97 = arith.constant 128 : index
    %swap3A_98 = tpu.vector_load %arg6[%swap3A_97] {strides = array<i32>} : memref<640xf32, #tpu.memory_space<vmem>>, vector<16xf32>,
    %swap3A_99 = vector.shape_cast %swap3A_98 : vector<16xf32> to vector<16xf32>
    %swap3A_100 = vector.shape_cast %broadcast_in_dim3A_96 : vector<16xf32> to vector<16xf32>
    tpu.vector_store %arg6[%swap3A_97], %swap3A_100 {strides = array<i32>} : memref<640xf32, #tpu.memory_space<vmem>>, vector<16xf32>,
    %broadcast_in_dim3A_101 = arith.constant 0.000000e+00 : f32
    %broadcast_in_dim3A_102 = vector.broadcast %broadcast_in_dim3A_101 : f32 to vector<16xf32>
    %swap3A_103 = arith.constant 144 : index
    %swap3A_104 = tpu.vector_load %arg6[%swap3A_103] {strides = array<i32>} : memref<640xf32, #tpu.memory_space<vmem>>, vector<16xf32>,
    %swap3A_105 = vector.shape_cast %swap3A_104 : vector<16xf32> to vector<16xf32>
    %swap3A_106 = vector.shape_cast %broadcast_in_dim3A_102 : vector<16xf32> to vector<16xf32>
    tpu.vector_store %arg6[%swap3A_103], %swap3A_106 {strides = array<i32>} : memref<640xf32, #tpu.memory_space<vmem>>, vector<16xf32>,
    %broadcast_in_dim3A_107 = arith.constant 0.000000e+00 : f32
    %broadcast_in_dim3A_108 = vector.broadcast %broadcast_in_dim3A_107 : f32 to vector<16xf32>
    %swap3A_109 = arith.constant 160 : index
    %swap3A_110 = tpu.vector_load %arg6[%swap3A_109] {strides = array<i32>} : memref<640xf32, #tpu.memory_space<vmem>>, vector<16xf32>,
    %swap3A_111 = vector.shape_cast %swap3A_110 : vector<16xf32> to vector<16xf32>
    %swap3A_112 = vector.shape_cast %broadcast_in_dim3A_108 : vector<16xf32> to vector<16xf32>
    tpu.vector_store %arg6[%swap3A_109], %swap3A_112 {strides = array<i32>} : memref<640xf32, #tpu.memory_space<vmem>>, vector<16xf32>,
    %broadcast_in_dim3A_113 = arith.constant 0.000000e+00 : f32
    %broadcast_in_dim3A_114 = vector.broadcast %broadcast_in_dim3A_113 : f32 to vector<16xf32>
    %swap3A_115 = arith.constant 176 : index
    %swap3A_116 = tpu.vector_load %arg6[%swap3A_115] {strides = array<i32>} : memref<640xf32, #tpu.memory_space<vmem>>, vector<16xf32>,
    %swap3A_117 = vector.shape_cast %swap3A_116 : vector<16xf32> to vector<16xf32>
    %swap3A_118 = vector.shape_cast %broadcast_in_dim3A_114 : vector<16xf32> to vector<16xf32>
    tpu.vector_store %arg6[%swap3A_115], %swap3A_118 {strides = array<i32>} : memref<640xf32, #tpu.memory_space<vmem>>, vector<16xf32>,
    %broadcast_in_dim3A_119 = arith.constant 0.000000e+00 : f32
    %broadcast_in_dim3A_120 = vector.broadcast %broadcast_in_dim3A_119 : f32 to vector<16xf32>
    %swap3A_121 = arith.constant 192 : index
    %swap3A_122 = tpu.vector_load %arg6[%swap3A_121] {strides = array<i32>} : memref<640xf32, #tpu.memory_space<vmem>>, vector<16xf32>,
    %swap3A_123 = vector.shape_cast %swap3A_122 : vector<16xf32> to vector<16xf32>
    %swap3A_124 = vector.shape_cast %broadcast_in_dim3A_120 : vector<16xf32> to vector<16xf32>
    tpu.vector_store %arg6[%swap3A_121], %swap3A_124 {strides = array<i32>} : memref<640xf32, #tpu.memory_space<vmem>>, vector<16xf32>,
    %broadcast_in_dim3A_125 = arith.constant 0.000000e+00 : f32
    %broadcast_in_dim3A_126 = vector.broadcast %broadcast_in_dim3A_125 : f32 to vector<16xf32>
    %swap3A_127 = arith.constant 208 : index
    %swap3A_128 = tpu.vector_load %arg6[%swap3A_127] {strides = array<i32>} : memref<640xf32, #tpu.memory_space<vmem>>, vector<16xf32>,
    %swap3A_129 = vector.shape_cast %swap3A_128 : vector<16xf32> to vector<16xf32>
    %swap3A_130 = vector.shape_cast %broadcast_in_dim3A_126 : vector<16xf32> to vector<16xf32>
    tpu.vector_store %arg6[%swap3A_127], %swap3A_130 {strides = array<i32>} : memref<640xf32, #tpu.memory_space<vmem>>, vector<16xf32>,
    %broadcast_in_dim3A_131 = arith.constant 0.000000e+00 : f32
    %broadcast_in_dim3A_132 = vector.broadcast %broadcast_in_dim3A_131 : f32 to vector<16xf32>
    %swap3A_133 = arith.constant 224 : index
    %swap3A_134 = tpu.vector_load %arg6[%swap3A_133] {strides = array<i32>} : memref<640xf32, #tpu.memory_space<vmem>>, vector<16xf32>,
    %swap3A_135 = vector.shape_cast %swap3A_134 : vector<16xf32> to vector<16xf32>
    %swap3A_136 = vector.shape_cast %broadcast_in_dim3A_132 : vector<16xf32> to vector<16xf32>
    tpu.vector_store %arg6[%swap3A_133], %swap3A_136 {strides = array<i32>} : memref<640xf32, #tpu.memory_space<vmem>>, vector<16xf32>,
    %broadcast_in_dim3A_137 = arith.constant 0.000000e+00 : f32
    %broadcast_in_dim3A_138 = vector.broadcast %broadcast_in_dim3A_137 : f32 to vector<16xf32>
    %swap3A_139 = arith.constant 240 : index
    %swap3A_140 = tpu.vector_load %arg6[%swap3A_139] {strides = array<i32>} : memref<640xf32, #tpu.memory_space<vmem>>, vector<16xf32>,
    %swap3A_141 = vector.shape_cast %swap3A_140 : vector<16xf32> to vector<16xf32>
    %swap3A_142 = vector.shape_cast %broadcast_in_dim3A_138 : vector<16xf32> to vector<16xf32>
    tpu.vector_store %arg6[%swap3A_139], %swap3A_142 {strides = array<i32>} : memref<640xf32, #tpu.memory_space<vmem>>, vector<16xf32>,
    %broadcast_in_dim3A_143 = arith.constant 0.000000e+00 : f32
    %broadcast_in_dim3A_144 = vector.broadcast %broadcast_in_dim3A_143 : f32 to vector<16xf32>
    %swap3A_145 = arith.constant 256 : index
    %swap3A_146 = tpu.vector_load %arg6[%swap3A_145] {strides = array<i32>} : memref<640xf32, #tpu.memory_space<vmem>>, vector<16xf32>,
    %swap3A_147 = vector.shape_cast %swap3A_146 : vector<16xf32> to vector<16xf32>
    %swap3A_148 = vector.shape_cast %broadcast_in_dim3A_144 : vector<16xf32> to vector<16xf32>
    tpu.vector_store %arg6[%swap3A_145], %swap3A_148 {strides = array<i32>} : memref<640xf32, #tpu.memory_space<vmem>>, vector<16xf32>,
    %broadcast_in_dim3A_149 = arith.constant 0.000000e+00 : f32
    %broadcast_in_dim3A_150 = vector.broadcast %broadcast_in_dim3A_149 : f32 to vector<16xf32>
    %swap3A_151 = arith.constant 272 : index
    %swap3A_152 = tpu.vector_load %arg6[%swap3A_151] {strides = array<i32>} : memref<640xf32, #tpu.memory_space<vmem>>, vector<16xf32>,
    %swap3A_153 = vector.shape_cast %swap3A_152 : vector<16xf32> to vector<16xf32>
    %swap3A_154 = vector.shape_cast %broadcast_in_dim3A_150 : vector<16xf32> to vector<16xf32>
    tpu.vector_store %arg6[%swap3A_151], %swap3A_154 {strides = array<i32>} : memref<640xf32, #tpu.memory_space<vmem>>, vector<16xf32>,
    %broadcast_in_dim3A_155 = arith.constant 0.000000e+00 : f32
    %broadcast_in_dim3A_156 = vector.broadcast %broadcast_in_dim3A_155 : f32 to vector<16xf32>
    %swap3A_157 = arith.constant 288 : index
    %swap3A_158 = tpu.vector_load %arg6[%swap3A_157] {strides = array<i32>} : memref<640xf32, #tpu.memory_space<vmem>>, vector<16xf32>,
    %swap3A_159 = vector.shape_cast %swap3A_158 : vector<16xf32> to vector<16xf32>
    %swap3A_160 = vector.shape_cast %broadcast_in_dim3A_156 : vector<16xf32> to vector<16xf32>
    tpu.vector_store %arg6[%swap3A_157], %swap3A_160 {strides = array<i32>} : memref<640xf32, #tpu.memory_space<vmem>>, vector<16xf32>,
    %broadcast_in_dim3A_161 = arith.constant 0.000000e+00 : f32
    %broadcast_in_dim3A_162 = vector.broadcast %broadcast_in_dim3A_161 : f32 to vector<16xf32>
    %swap3A_163 = arith.constant 304 : index
    %swap3A_164 = tpu.vector_load %arg6[%swap3A_163] {strides = array<i32>} : memref<640xf32, #tpu.memory_space<vmem>>, vector<16xf32>,
    %swap3A_165 = vector.shape_cast %swap3A_164 : vector<16xf32> to vector<16xf32>
    %swap3A_166 = vector.shape_cast %broadcast_in_dim3A_162 : vector<16xf32> to vector<16xf32>
    tpu.vector_store %arg6[%swap3A_163], %swap3A_166 {strides = array<i32>} : memref<640xf32, #tpu.memory_space<vmem>>, vector<16xf32>,
    %broadcast_in_dim3A_167 = arith.constant 0.000000e+00 : f32
    %broadcast_in_dim3A_168 = vector.broadcast %broadcast_in_dim3A_167 : f32 to vector<16xf32>
    %swap3A_169 = arith.constant 320 : index
    %swap3A_170 = tpu.vector_load %arg6[%swap3A_169] {strides = array<i32>} : memref<640xf32, #tpu.memory_space<vmem>>, vector<16xf32>,
    %swap3A_171 = vector.shape_cast %swap3A_170 : vector<16xf32> to vector<16xf32>
    %swap3A_172 = vector.shape_cast %broadcast_in_dim3A_168 : vector<16xf32> to vector<16xf32>
    tpu.vector_store %arg6[%swap3A_169], %swap3A_172 {strides = array<i32>} : memref<640xf32, #tpu.memory_space<vmem>>, vector<16xf32>,
    %broadcast_in_dim3A_173 = arith.constant 0.000000e+00 : f32
    %broadcast_in_dim3A_174 = vector.broadcast %broadcast_in_dim3A_173 : f32 to vector<16xf32>
    %swap3A_175 = arith.constant 336 : index
    %swap3A_176 = tpu.vector_load %arg6[%swap3A_175] {strides = array<i32>} : memref<640xf32, #tpu.memory_space<vmem>>, vector<16xf32>,
    %swap3A_177 = vector.shape_cast %swap3A_176 : vector<16xf32> to vector<16xf32>
    %swap3A_178 = vector.shape_cast %broadcast_in_dim3A_174 : vector<16xf32> to vector<16xf32>
    tpu.vector_store %arg6[%swap3A_175], %swap3A_178 {strides = array<i32>} : memref<640xf32, #tpu.memory_space<vmem>>, vector<16xf32>,
    %broadcast_in_dim3A_179 = arith.constant 0.000000e+00 : f32
    %broadcast_in_dim3A_180 = vector.broadcast %broadcast_in_dim3A_179 : f32 to vector<16xf32>
    %swap3A_181 = arith.constant 352 : index
    %swap3A_182 = tpu.vector_load %arg6[%swap3A_181] {strides = array<i32>} : memref<640xf32, #tpu.memory_space<vmem>>, vector<16xf32>,
    %swap3A_183 = vector.shape_cast %swap3A_182 : vector<16xf32> to vector<16xf32>
    %swap3A_184 = vector.shape_cast %broadcast_in_dim3A_180 : vector<16xf32> to vector<16xf32>
    tpu.vector_store %arg6[%swap3A_181], %swap3A_184 {strides = array<i32>} : memref<640xf32, #tpu.memory_space<vmem>>, vector<16xf32>,
    %broadcast_in_dim3A_185 = arith.constant 0.000000e+00 : f32
    %broadcast_in_dim3A_186 = vector.broadcast %broadcast_in_dim3A_185 : f32 to vector<16xf32>
    %swap3A_187 = arith.constant 368 : index
    %swap3A_188 = tpu.vector_load %arg6[%swap3A_187] {strides = array<i32>} : memref<640xf32, #tpu.memory_space<vmem>>, vector<16xf32>,
    %swap3A_189 = vector.shape_cast %swap3A_188 : vector<16xf32> to vector<16xf32>
    %swap3A_190 = vector.shape_cast %broadcast_in_dim3A_186 : vector<16xf32> to vector<16xf32>
    tpu.vector_store %arg6[%swap3A_187], %swap3A_190 {strides = array<i32>} : memref<640xf32, #tpu.memory_space<vmem>>, vector<16xf32>,
    %broadcast_in_dim3A_191 = arith.constant 0.000000e+00 : f32
    %broadcast_in_dim3A_192 = vector.broadcast %broadcast_in_dim3A_191 : f32 to vector<16xf32>
    %swap3A_193 = arith.constant 384 : index
    %swap3A_194 = tpu.vector_load %arg6[%swap3A_193] {strides = array<i32>} : memref<640xf32, #tpu.memory_space<vmem>>, vector<16xf32>,
    %swap3A_195 = vector.shape_cast %swap3A_194 : vector<16xf32> to vector<16xf32>
    %swap3A_196 = vector.shape_cast %broadcast_in_dim3A_192 : vector<16xf32> to vector<16xf32>
    tpu.vector_store %arg6[%swap3A_193], %swap3A_196 {strides = array<i32>} : memref<640xf32, #tpu.memory_space<vmem>>, vector<16xf32>,
    %broadcast_in_dim3A_197 = arith.constant 0.000000e+00 : f32
    %broadcast_in_dim3A_198 = vector.broadcast %broadcast_in_dim3A_197 : f32 to vector<16xf32>
    %swap3A_199 = arith.constant 400 : index
    %swap3A_200 = tpu.vector_load %arg6[%swap3A_199] {strides = array<i32>} : memref<640xf32, #tpu.memory_space<vmem>>, vector<16xf32>,
    %swap3A_201 = vector.shape_cast %swap3A_200 : vector<16xf32> to vector<16xf32>
    %swap3A_202 = vector.shape_cast %broadcast_in_dim3A_198 : vector<16xf32> to vector<16xf32>
    tpu.vector_store %arg6[%swap3A_199], %swap3A_202 {strides = array<i32>} : memref<640xf32, #tpu.memory_space<vmem>>, vector<16xf32>,
    %broadcast_in_dim3A_203 = arith.constant 0.000000e+00 : f32
    %broadcast_in_dim3A_204 = vector.broadcast %broadcast_in_dim3A_203 : f32 to vector<16xf32>
    %swap3A_205 = arith.constant 416 : index
    %swap3A_206 = tpu.vector_load %arg6[%swap3A_205] {strides = array<i32>} : memref<640xf32, #tpu.memory_space<vmem>>, vector<16xf32>,
    %swap3A_207 = vector.shape_cast %swap3A_206 : vector<16xf32> to vector<16xf32>
    %swap3A_208 = vector.shape_cast %broadcast_in_dim3A_204 : vector<16xf32> to vector<16xf32>
    tpu.vector_store %arg6[%swap3A_205], %swap3A_208 {strides = array<i32>} : memref<640xf32, #tpu.memory_space<vmem>>, vector<16xf32>,
    %broadcast_in_dim3A_209 = arith.constant 0.000000e+00 : f32
    %broadcast_in_dim3A_210 = vector.broadcast %broadcast_in_dim3A_209 : f32 to vector<16xf32>
    %swap3A_211 = arith.constant 432 : index
    %swap3A_212 = tpu.vector_load %arg6[%swap3A_211] {strides = array<i32>} : memref<640xf32, #tpu.memory_space<vmem>>, vector<16xf32>,
    %swap3A_213 = vector.shape_cast %swap3A_212 : vector<16xf32> to vector<16xf32>
    %swap3A_214 = vector.shape_cast %broadcast_in_dim3A_210 : vector<16xf32> to vector<16xf32>
    tpu.vector_store %arg6[%swap3A_211], %swap3A_214 {strides = array<i32>} : memref<640xf32, #tpu.memory_space<vmem>>, vector<16xf32>,
    %broadcast_in_dim3A_215 = arith.constant 0.000000e+00 : f32
    %broadcast_in_dim3A_216 = vector.broadcast %broadcast_in_dim3A_215 : f32 to vector<16xf32>
    %swap3A_217 = arith.constant 448 : index
    %swap3A_218 = tpu.vector_load %arg6[%swap3A_217] {strides = array<i32>} : memref<640xf32, #tpu.memory_space<vmem>>, vector<16xf32>,
    %swap3A_219 = vector.shape_cast %swap3A_218 : vector<16xf32> to vector<16xf32>
    %swap3A_220 = vector.shape_cast %broadcast_in_dim3A_216 : vector<16xf32> to vector<16xf32>
    tpu.vector_store %arg6[%swap3A_217], %swap3A_220 {strides = array<i32>} : memref<640xf32, #tpu.memory_space<vmem>>, vector<16xf32>,
    %broadcast_in_dim3A_221 = arith.constant 0.000000e+00 : f32
    %broadcast_in_dim3A_222 = vector.broadcast %broadcast_in_dim3A_221 : f32 to vector<16xf32>
    %swap3A_223 = arith.constant 464 : index
    %swap3A_224 = tpu.vector_load %arg6[%swap3A_223] {strides = array<i32>} : memref<640xf32, #tpu.memory_space<vmem>>, vector<16xf32>,
    %swap3A_225 = vector.shape_cast %swap3A_224 : vector<16xf32> to vector<16xf32>
    %swap3A_226 = vector.shape_cast %broadcast_in_dim3A_222 : vector<16xf32> to vector<16xf32>
    tpu.vector_store %arg6[%swap3A_223], %swap3A_226 {strides = array<i32>} : memref<640xf32, #tpu.memory_space<vmem>>, vector<16xf32>,
    %broadcast_in_dim3A_227 = arith.constant 0.000000e+00 : f32
    %broadcast_in_dim3A_228 = vector.broadcast %broadcast_in_dim3A_227 : f32 to vector<16xf32>
    %swap3A_229 = arith.constant 480 : index
    %swap3A_230 = tpu.vector_load %arg6[%swap3A_229] {strides = array<i32>} : memref<640xf32, #tpu.memory_space<vmem>>, vector<16xf32>,
    %swap3A_231 = vector.shape_cast %swap3A_230 : vector<16xf32> to vector<16xf32>
    %swap3A_232 = vector.shape_cast %broadcast_in_dim3A_228 : vector<16xf32> to vector<16xf32>
    tpu.vector_store %arg6[%swap3A_229], %swap3A_232 {strides = array<i32>} : memref<640xf32, #tpu.memory_space<vmem>>, vector<16xf32>,
    %broadcast_in_dim3A_233 = arith.constant 0.000000e+00 : f32
    %broadcast_in_dim3A_234 = vector.broadcast %broadcast_in_dim3A_233 : f32 to vector<16xf32>
    %swap3A_235 = arith.constant 496 : index
    %swap3A_236 = tpu.vector_load %arg6[%swap3A_235] {strides = array<i32>} : memref<640xf32, #tpu.memory_space<vmem>>, vector<16xf32>,
    %swap3A_237 = vector.shape_cast %swap3A_236 : vector<16xf32> to vector<16xf32>
    %swap3A_238 = vector.shape_cast %broadcast_in_dim3A_234 : vector<16xf32> to vector<16xf32>
    tpu.vector_store %arg6[%swap3A_235], %swap3A_238 {strides = array<i32>} : memref<640xf32, #tpu.memory_space<vmem>>, vector<16xf32>,
    %broadcast_in_dim3A_239 = arith.constant 0.000000e+00 : f32
    %broadcast_in_dim3A_240 = vector.broadcast %broadcast_in_dim3A_239 : f32 to vector<16xf32>
    %swap3A_241 = arith.constant 512 : index
    %swap3A_242 = tpu.vector_load %arg6[%swap3A_241] {strides = array<i32>} : memref<640xf32, #tpu.memory_space<vmem>>, vector<16xf32>,
    %swap3A_243 = vector.shape_cast %swap3A_242 : vector<16xf32> to vector<16xf32>
    %swap3A_244 = vector.shape_cast %broadcast_in_dim3A_240 : vector<16xf32> to vector<16xf32>
    tpu.vector_store %arg6[%swap3A_241], %swap3A_244 {strides = array<i32>} : memref<640xf32, #tpu.memory_space<vmem>>, vector<16xf32>,
    %broadcast_in_dim3A_245 = arith.constant 0.000000e+00 : f32
    %broadcast_in_dim3A_246 = vector.broadcast %broadcast_in_dim3A_245 : f32 to vector<16xf32>
    %swap3A_247 = arith.constant 528 : index
    %swap3A_248 = tpu.vector_load %arg6[%swap3A_247] {strides = array<i32>} : memref<640xf32, #tpu.memory_space<vmem>>, vector<16xf32>,
    %swap3A_249 = vector.shape_cast %swap3A_248 : vector<16xf32> to vector<16xf32>
    %swap3A_250 = vector.shape_cast %broadcast_in_dim3A_246 : vector<16xf32> to vector<16xf32>
    tpu.vector_store %arg6[%swap3A_247], %swap3A_250 {strides = array<i32>} : memref<640xf32, #tpu.memory_space<vmem>>, vector<16xf32>,
    %broadcast_in_dim3A_251 = arith.constant 0.000000e+00 : f32
    %broadcast_in_dim3A_252 = vector.broadcast %broadcast_in_dim3A_251 : f32 to vector<16xf32>
    %swap3A_253 = arith.constant 544 : index
    %swap3A_254 = tpu.vector_load %arg6[%swap3A_253] {strides = array<i32>} : memref<640xf32, #tpu.memory_space<vmem>>, vector<16xf32>,
    %swap3A_255 = vector.shape_cast %swap3A_254 : vector<16xf32> to vector<16xf32>
    %swap3A_256 = vector.shape_cast %broadcast_in_dim3A_252 : vector<16xf32> to vector<16xf32>
    tpu.vector_store %arg6[%swap3A_253], %swap3A_256 {strides = array<i32>} : memref<640xf32, #tpu.memory_space<vmem>>, vector<16xf32>,
    %broadcast_in_dim3A_257 = arith.constant 0.000000e+00 : f32
    %broadcast_in_dim3A_258 = vector.broadcast %broadcast_in_dim3A_257 : f32 to vector<16xf32>
    %swap3A_259 = arith.constant 560 : index
    %swap3A_260 = tpu.vector_load %arg6[%swap3A_259] {strides = array<i32>} : memref<640xf32, #tpu.memory_space<vmem>>, vector<16xf32>,
    %swap3A_261 = vector.shape_cast %swap3A_260 : vector<16xf32> to vector<16xf32>
    %swap3A_262 = vector.shape_cast %broadcast_in_dim3A_258 : vector<16xf32> to vector<16xf32>
    tpu.vector_store %arg6[%swap3A_259], %swap3A_262 {strides = array<i32>} : memref<640xf32, #tpu.memory_space<vmem>>, vector<16xf32>,
    %broadcast_in_dim3A_263 = arith.constant 0.000000e+00 : f32
    %broadcast_in_dim3A_264 = vector.broadcast %broadcast_in_dim3A_263 : f32 to vector<16xf32>
    %swap3A_265 = arith.constant 576 : index
    %swap3A_266 = tpu.vector_load %arg6[%swap3A_265] {strides = array<i32>} : memref<640xf32, #tpu.memory_space<vmem>>, vector<16xf32>,
    %swap3A_267 = vector.shape_cast %swap3A_266 : vector<16xf32> to vector<16xf32>
    %swap3A_268 = vector.shape_cast %broadcast_in_dim3A_264 : vector<16xf32> to vector<16xf32>
    tpu.vector_store %arg6[%swap3A_265], %swap3A_268 {strides = array<i32>} : memref<640xf32, #tpu.memory_space<vmem>>, vector<16xf32>,
    %broadcast_in_dim3A_269 = arith.constant 0.000000e+00 : f32
    %broadcast_in_dim3A_270 = vector.broadcast %broadcast_in_dim3A_269 : f32 to vector<16xf32>
    %swap3A_271 = arith.constant 592 : index
    %swap3A_272 = tpu.vector_load %arg6[%swap3A_271] {strides = array<i32>} : memref<640xf32, #tpu.memory_space<vmem>>, vector<16xf32>,
    %swap3A_273 = vector.shape_cast %swap3A_272 : vector<16xf32> to vector<16xf32>
    %swap3A_274 = vector.shape_cast %broadcast_in_dim3A_270 : vector<16xf32> to vector<16xf32>
    tpu.vector_store %arg6[%swap3A_271], %swap3A_274 {strides = array<i32>} : memref<640xf32, #tpu.memory_space<vmem>>, vector<16xf32>,
    %broadcast_in_dim3A_275 = arith.constant 0.000000e+00 : f32
    %broadcast_in_dim3A_276 = vector.broadcast %broadcast_in_dim3A_275 : f32 to vector<16xf32>
    %swap3A_277 = arith.constant 608 : index
    %swap3A_278 = tpu.vector_load %arg6[%swap3A_277] {strides = array<i32>} : memref<640xf32, #tpu.memory_space<vmem>>, vector<16xf32>,
    %swap3A_279 = vector.shape_cast %swap3A_278 : vector<16xf32> to vector<16xf32>
    %swap3A_280 = vector.shape_cast %broadcast_in_dim3A_276 : vector<16xf32> to vector<16xf32>
    tpu.vector_store %arg6[%swap3A_277], %swap3A_280 {strides = array<i32>} : memref<640xf32, #tpu.memory_space<vmem>>, vector<16xf32>,
    %broadcast_in_dim3A_281 = arith.constant 0.000000e+00 : f32
    %broadcast_in_dim3A_282 = vector.broadcast %broadcast_in_dim3A_281 : f32 to vector<16xf32>
    %swap3A_283 = arith.constant 624 : index
    %swap3A_284 = tpu.vector_load %arg6[%swap3A_283] {strides = array<i32>} : memref<640xf32, #tpu.memory_space<vmem>>, vector<16xf32>,
    %swap3A_285 = vector.shape_cast %swap3A_284 : vector<16xf32> to vector<16xf32>
    %swap3A_286 = vector.shape_cast %broadcast_in_dim3A_282 : vector<16xf32> to vector<16xf32>
    tpu.vector_store %arg6[%swap3A_283], %swap3A_286 {strides = array<i32>} : memref<640xf32, #tpu.memory_space<vmem>>, vector<16xf32>,
    %mul3A_287 = arith.constant 640 : i32
    %mul3A_288 = arith.muli %arg1, %mul3A_287 : i32
    "tpu.region"() ({
      %run_scoped3A = tpu.sem_alloc : memref<!tpu.dma_semaphore, #tpu.memory_space<semaphore_mem>>
      %dma_start3A = tpu.memref_slice %arg7[%mul3A_288] : memref<10240xf32, #tpu.memory_space<vmem_shared>> -> memref<640xf32, #tpu.memory_space<vmem_shared>>
      %dma_start3A_301 = tpu.memref_slice %arg7[%mul3A_288] : memref<10240xf32, #tpu.memory_space<vmem_shared>> -> memref<640xf32, #tpu.memory_space<vmem_shared>>
      tpu.enqueue_dma source(%arg6 : memref<640xf32, #tpu.memory_space<vmem>>) target(%dma_start3A_301 : memref<640xf32, #tpu.memory_space<vmem_shared>>) target_semaphore(%run_scoped3A : memref<!tpu.dma_semaphore, #tpu.memory_space<semaphore_mem>>)
      %dma_wait3A = tpu.memref_slice %arg7[%mul3A_288] : memref<10240xf32, #tpu.memory_space<vmem_shared>> -> memref<640xf32, #tpu.memory_space<vmem_shared>>
      %dma_wait3A_302 = tpu.memref_slice %arg7[%mul3A_288] : memref<10240xf32, #tpu.memory_space<vmem_shared>> -> memref<640xf32, #tpu.memory_space<vmem_shared>>
      tpu.wait_dma2 semaphore(%run_scoped3A : memref<!tpu.dma_semaphore, #tpu.memory_space<semaphore_mem>>) src(%arg6 : memref<640xf32, #tpu.memory_space<vmem>>) dst(%dma_wait3A_302 : memref<640xf32, #tpu.memory_space<vmem_shared>>)
      tpu.yield
    }) : () -> ()
    %barrier3A = arith.constant 0 : index
    tpu.barrier barrier_id(%barrier3A)
    %mul3A_289 = arith.constant 10112 : i32
    %mul3A_290 = arith.muli %add3A, %mul3A_289 : i32
    %scan3A = arith.constant 0 : i32
    %scan3A_291 = arith.constant 0 : i32
    %scan3A_292 = arith.constant 79 : i32
    %scan3A_293 = arith.addi %scan3A_291, %scan3A_292 : i32
    %scan3A_294 = arith.constant 1 : i32
    scf.for %scan3A_301 = %scan3A_291 to %scan3A_293 step %scan3A_294  : i32 {
      %mul3A_302 = arith.constant 128 : i32
      %mul3A_303 = arith.muli %scan3A_301, %mul3A_302 : i32
      %add3A_304 = arith.addi %mul3A_290, %mul3A_303 : i32
      %multiple_of3A = tpu.assume_multiple %add3A_304, 8 : i32
      "tpu.region"() ({
        %run_scoped3A = tpu.sem_alloc : memref<!tpu.dma_semaphore, #tpu.memory_space<semaphore_mem>>
        %dma_start3A = tpu.memref_slice %arg2[%multiple_of3A] : memref<323584xi32, #tpu.memory_space<hbm>> -> memref<128xi32, #tpu.memory_space<hbm>>
        %dma_start3A_305 = tpu.memref_slice %arg2[%multiple_of3A] : memref<323584xi32, #tpu.memory_space<hbm>> -> memref<128xi32, #tpu.memory_space<hbm>>
        tpu.enqueue_dma source(%dma_start3A_305 : memref<128xi32, #tpu.memory_space<hbm>>) target(%arg4 : memref<128xi32, #tpu.memory_space<vmem>>) target_semaphore(%run_scoped3A : memref<!tpu.dma_semaphore, #tpu.memory_space<semaphore_mem>>)
        %dma_wait3A = tpu.memref_slice %arg2[%multiple_of3A] : memref<323584xi32, #tpu.memory_space<hbm>> -> memref<128xi32, #tpu.memory_space<hbm>>
        %dma_wait3A_306 = tpu.memref_slice %arg2[%multiple_of3A] : memref<323584xi32, #tpu.memory_space<hbm>> -> memref<128xi32, #tpu.memory_space<hbm>>
        tpu.wait_dma2 semaphore(%run_scoped3A : memref<!tpu.dma_semaphore, #tpu.memory_space<semaphore_mem>>) src(%dma_wait3A_306 : memref<128xi32, #tpu.memory_space<hbm>>) dst(%arg4 : memref<128xi32, #tpu.memory_space<vmem>>)
        tpu.yield
      }) : () -> ()
      "tpu.region"() ({
        %run_scoped3A = tpu.sem_alloc : memref<!tpu.dma_semaphore, #tpu.memory_space<semaphore_mem>>
        %dma_start3A = arith.constant 0 : i32
        %dma_start3A_305 = tpu.memref_slice %arg7[%dma_start3A] : memref<10240xf32, #tpu.memory_space<vmem_shared>> -> memref<10240xf32, #tpu.memory_space<vmem_shared>>
        tpu.enqueue_indirect_dma source(%arg5 : memref<128xf32, #tpu.memory_space<vmem>>) target(%dma_start3A_305 : memref<10240xf32, #tpu.memory_space<vmem_shared>>) offsets(%arg4 : memref<128xi32, #tpu.memory_space<vmem>>) semaphore(%run_scoped3A : memref<!tpu.dma_semaphore, #tpu.memory_space<semaphore_mem>>) {add = true}
        %dma_wait3A = arith.constant 0 : i32
        %dma_wait3A_306 = tpu.memref_slice %arg7[%dma_wait3A] : memref<10240xf32, #tpu.memory_space<vmem_shared>> -> memref<10240xf32, #tpu.memory_space<vmem_shared>>
        tpu.wait_indirect_dma semaphore(%run_scoped3A : memref<!tpu.dma_semaphore, #tpu.memory_space<semaphore_mem>>) src(%arg5 : memref<128xf32, #tpu.memory_space<vmem>>) dst(%dma_wait3A_306 : memref<10240xf32, #tpu.memory_space<vmem_shared>>)
        tpu.yield
      }) : () -> ()
    }
    %scan3A_295 = arith.constant 79 : i32
    %barrier3A_296 = arith.constant 0 : index
    tpu.barrier barrier_id(%barrier3A_296)
    %mul3A_297 = arith.constant 640 : i32
    %mul3A_298 = arith.muli %arg1, %mul3A_297 : i32
    %mul3A_299 = arith.constant 640 : i32
    %mul3A_300 = arith.muli %arg1, %mul3A_299 : i32
    "tpu.region"() ({
      %run_scoped3A = tpu.sem_alloc : memref<!tpu.dma_semaphore, #tpu.memory_space<semaphore_mem>>
      %dma_start3A = tpu.memref_slice %arg3[%arg0, %mul3A_300] : memref<2x10240xf32, #tpu.memory_space<hbm>> -> memref<1x640xf32, #tpu.memory_space<hbm>>
      %dma_start3A_301 = tpu.memref_squeeze %dma_start3A : memref<1x640xf32, #tpu.memory_space<hbm>> -> memref<640xf32, #tpu.memory_space<hbm>>
      %dma_start3A_302 = tpu.memref_slice %arg7[%mul3A_298] : memref<10240xf32, #tpu.memory_space<vmem_shared>> -> memref<640xf32, #tpu.memory_space<vmem_shared>>
      tpu.enqueue_dma source(%dma_start3A_302 : memref<640xf32, #tpu.memory_space<vmem_shared>>) target(%dma_start3A_301 : memref<640xf32, #tpu.memory_space<hbm>>) target_semaphore(%run_scoped3A : memref<!tpu.dma_semaphore, #tpu.memory_space<semaphore_mem>>)
      %dma_wait3A = tpu.memref_slice %arg3[%arg0, %mul3A_300] : memref<2x10240xf32, #tpu.memory_space<hbm>> -> memref<1x640xf32, #tpu.memory_space<hbm>>
      %dma_wait3A_303 = tpu.memref_squeeze %dma_wait3A : memref<1x640xf32, #tpu.memory_space<hbm>> -> memref<640xf32, #tpu.memory_space<hbm>>
      %dma_wait3A_304 = tpu.memref_slice %arg7[%mul3A_298] : memref<10240xf32, #tpu.memory_space<vmem_shared>> -> memref<640xf32, #tpu.memory_space<vmem_shared>>
      tpu.wait_dma2 semaphore(%run_scoped3A : memref<!tpu.dma_semaphore, #tpu.memory_space<semaphore_mem>>) src(%dma_wait3A_304 : memref<640xf32, #tpu.memory_space<vmem_shared>>) dst(%dma_wait3A_303 : memref<640xf32, #tpu.memory_space<hbm>>)
      tpu.yield
    }) : () -> ()
    return
  }
}

#map = affine_map<(d0, d1) -> (0, 0)>
#map1 = affine_map<(d0, d1) -> (0)>
#map2 = affine_map<(d0, d1) -> (0, 0, 0)>
module attributes {stable_mosaic.version = 14 : i64} {
  func.func @_prop_body(%arg0: i32, %arg1: i32, %arg2: memref<10240x128xf32, #tpu.memory_space<hbm>>, %arg3: memref<323584xi32, #tpu.memory_space<hbm>>, %arg4: memref<323584xi32, #tpu.memory_space<hbm>>, %arg5: memref<2x10240x128xf32, #tpu.memory_space<hbm>>, %arg6: memref<128xi32, #tpu.memory_space<vmem>>, %arg7: memref<128xi32, #tpu.memory_space<vmem>>, %arg8: memref<128x128xf32, #tpu.memory_space<vmem>>, %arg9: memref<10240x128xf32, #tpu.memory_space<vmem_shared>>, %arg10: memref<!tpu.dma_semaphore, #tpu.memory_space<semaphore_mem>>) attributes {dimension_semantics = [#tpu.dimension_semantics<core_parallel>, #tpu.dimension_semantics<subcore_parallel>], iteration_bounds = array<i64: 2, 16>, scalar_prefetch = 0 : i64, scratch_operands = 5 : i64, tpu.core_type = #tpu.core_type<sc_vector_subcore>, window_params = [{transform_indices = #map}, {transform_indices = #map1}, {transform_indices = #map1}, {transform_indices = #map2}]} {
    %mul3A = arith.constant 2 : i32
    %mul3A_0 = arith.muli %arg1, %mul3A : i32
    %add3A = arith.addi %mul3A_0, %arg0 : i32
    %scan3A = arith.constant 0 : i32
    %scan3A_1 = arith.constant 0 : i32
    %scan3A_2 = arith.constant 128 : i32
    %scan3A_3 = arith.addi %scan3A_1, %scan3A_2 : i32
    %scan3A_4 = arith.constant 1 : i32
    scf.for %scan3A_39 = %scan3A_1 to %scan3A_3 step %scan3A_4  : i32 {
      %broadcast_in_dim3A = arith.constant 0.000000e+00 : f32
      %broadcast_in_dim3A_40 = vector.broadcast %broadcast_in_dim3A : f32 to vector<16xf32>
      %swap3A = arith.index_cast %scan3A_39 : i32 to index
      %swap3A_41 = arith.constant 0 : index
      %swap3A_42 = tpu.vector_load %arg8[%swap3A, %swap3A_41] {strides = array<i32>} : memref<128x128xf32, #tpu.memory_space<vmem>>, vector<1x16xf32>,
      %swap3A_43 = vector.shape_cast %swap3A_42 : vector<1x16xf32> to vector<16xf32>
      %swap3A_44 = vector.shape_cast %broadcast_in_dim3A_40 : vector<16xf32> to vector<1x16xf32>
      tpu.vector_store %arg8[%swap3A, %swap3A_41], %swap3A_44 {strides = array<i32>} : memref<128x128xf32, #tpu.memory_space<vmem>>, vector<1x16xf32>,
      %broadcast_in_dim3A_45 = arith.constant 0.000000e+00 : f32
      %broadcast_in_dim3A_46 = vector.broadcast %broadcast_in_dim3A_45 : f32 to vector<16xf32>
      %swap3A_47 = arith.index_cast %scan3A_39 : i32 to index
      %swap3A_48 = arith.constant 16 : index
      %swap3A_49 = tpu.vector_load %arg8[%swap3A_47, %swap3A_48] {strides = array<i32>} : memref<128x128xf32, #tpu.memory_space<vmem>>, vector<1x16xf32>,
      %swap3A_50 = vector.shape_cast %swap3A_49 : vector<1x16xf32> to vector<16xf32>
      %swap3A_51 = vector.shape_cast %broadcast_in_dim3A_46 : vector<16xf32> to vector<1x16xf32>
      tpu.vector_store %arg8[%swap3A_47, %swap3A_48], %swap3A_51 {strides = array<i32>} : memref<128x128xf32, #tpu.memory_space<vmem>>, vector<1x16xf32>,
      %broadcast_in_dim3A_52 = arith.constant 0.000000e+00 : f32
      %broadcast_in_dim3A_53 = vector.broadcast %broadcast_in_dim3A_52 : f32 to vector<16xf32>
      %swap3A_54 = arith.index_cast %scan3A_39 : i32 to index
      %swap3A_55 = arith.constant 32 : index
      %swap3A_56 = tpu.vector_load %arg8[%swap3A_54, %swap3A_55] {strides = array<i32>} : memref<128x128xf32, #tpu.memory_space<vmem>>, vector<1x16xf32>,
      %swap3A_57 = vector.shape_cast %swap3A_56 : vector<1x16xf32> to vector<16xf32>
      %swap3A_58 = vector.shape_cast %broadcast_in_dim3A_53 : vector<16xf32> to vector<1x16xf32>
      tpu.vector_store %arg8[%swap3A_54, %swap3A_55], %swap3A_58 {strides = array<i32>} : memref<128x128xf32, #tpu.memory_space<vmem>>, vector<1x16xf32>,
      %broadcast_in_dim3A_59 = arith.constant 0.000000e+00 : f32
      %broadcast_in_dim3A_60 = vector.broadcast %broadcast_in_dim3A_59 : f32 to vector<16xf32>
      %swap3A_61 = arith.index_cast %scan3A_39 : i32 to index
      %swap3A_62 = arith.constant 48 : index
      %swap3A_63 = tpu.vector_load %arg8[%swap3A_61, %swap3A_62] {strides = array<i32>} : memref<128x128xf32, #tpu.memory_space<vmem>>, vector<1x16xf32>,
      %swap3A_64 = vector.shape_cast %swap3A_63 : vector<1x16xf32> to vector<16xf32>
      %swap3A_65 = vector.shape_cast %broadcast_in_dim3A_60 : vector<16xf32> to vector<1x16xf32>
      tpu.vector_store %arg8[%swap3A_61, %swap3A_62], %swap3A_65 {strides = array<i32>} : memref<128x128xf32, #tpu.memory_space<vmem>>, vector<1x16xf32>,
      %broadcast_in_dim3A_66 = arith.constant 0.000000e+00 : f32
      %broadcast_in_dim3A_67 = vector.broadcast %broadcast_in_dim3A_66 : f32 to vector<16xf32>
      %swap3A_68 = arith.index_cast %scan3A_39 : i32 to index
      %swap3A_69 = arith.constant 64 : index
      %swap3A_70 = tpu.vector_load %arg8[%swap3A_68, %swap3A_69] {strides = array<i32>} : memref<128x128xf32, #tpu.memory_space<vmem>>, vector<1x16xf32>,
      %swap3A_71 = vector.shape_cast %swap3A_70 : vector<1x16xf32> to vector<16xf32>
      %swap3A_72 = vector.shape_cast %broadcast_in_dim3A_67 : vector<16xf32> to vector<1x16xf32>
      tpu.vector_store %arg8[%swap3A_68, %swap3A_69], %swap3A_72 {strides = array<i32>} : memref<128x128xf32, #tpu.memory_space<vmem>>, vector<1x16xf32>,
      %broadcast_in_dim3A_73 = arith.constant 0.000000e+00 : f32
      %broadcast_in_dim3A_74 = vector.broadcast %broadcast_in_dim3A_73 : f32 to vector<16xf32>
      %swap3A_75 = arith.index_cast %scan3A_39 : i32 to index
      %swap3A_76 = arith.constant 80 : index
      %swap3A_77 = tpu.vector_load %arg8[%swap3A_75, %swap3A_76] {strides = array<i32>} : memref<128x128xf32, #tpu.memory_space<vmem>>, vector<1x16xf32>,
      %swap3A_78 = vector.shape_cast %swap3A_77 : vector<1x16xf32> to vector<16xf32>
      %swap3A_79 = vector.shape_cast %broadcast_in_dim3A_74 : vector<16xf32> to vector<1x16xf32>
      tpu.vector_store %arg8[%swap3A_75, %swap3A_76], %swap3A_79 {strides = array<i32>} : memref<128x128xf32, #tpu.memory_space<vmem>>, vector<1x16xf32>,
      %broadcast_in_dim3A_80 = arith.constant 0.000000e+00 : f32
      %broadcast_in_dim3A_81 = vector.broadcast %broadcast_in_dim3A_80 : f32 to vector<16xf32>
      %swap3A_82 = arith.index_cast %scan3A_39 : i32 to index
      %swap3A_83 = arith.constant 96 : index
      %swap3A_84 = tpu.vector_load %arg8[%swap3A_82, %swap3A_83] {strides = array<i32>} : memref<128x128xf32, #tpu.memory_space<vmem>>, vector<1x16xf32>,
      %swap3A_85 = vector.shape_cast %swap3A_84 : vector<1x16xf32> to vector<16xf32>
      %swap3A_86 = vector.shape_cast %broadcast_in_dim3A_81 : vector<16xf32> to vector<1x16xf32>
      tpu.vector_store %arg8[%swap3A_82, %swap3A_83], %swap3A_86 {strides = array<i32>} : memref<128x128xf32, #tpu.memory_space<vmem>>, vector<1x16xf32>,
      %broadcast_in_dim3A_87 = arith.constant 0.000000e+00 : f32
      %broadcast_in_dim3A_88 = vector.broadcast %broadcast_in_dim3A_87 : f32 to vector<16xf32>
      %swap3A_89 = arith.index_cast %scan3A_39 : i32 to index
      %swap3A_90 = arith.constant 112 : index
      %swap3A_91 = tpu.vector_load %arg8[%swap3A_89, %swap3A_90] {strides = array<i32>} : memref<128x128xf32, #tpu.memory_space<vmem>>, vector<1x16xf32>,
      %swap3A_92 = vector.shape_cast %swap3A_91 : vector<1x16xf32> to vector<16xf32>
      %swap3A_93 = vector.shape_cast %broadcast_in_dim3A_88 : vector<16xf32> to vector<1x16xf32>
      tpu.vector_store %arg8[%swap3A_89, %swap3A_90], %swap3A_93 {strides = array<i32>} : memref<128x128xf32, #tpu.memory_space<vmem>>, vector<1x16xf32>,
    }
    %scan3A_5 = arith.constant 128 : i32
    %mul3A_6 = arith.constant 640 : i32
    %mul3A_7 = arith.muli %arg1, %mul3A_6 : i32
    %add3A_8 = arith.constant 0 : i32
    %add3A_9 = arith.addi %mul3A_7, %add3A_8 : i32
    "tpu.region"() ({
      %run_scoped3A = tpu.sem_alloc : memref<!tpu.dma_semaphore, #tpu.memory_space<semaphore_mem>>
      %dma_start3A = arith.constant 0 : i32
      %dma_start3A_39 = tpu.memref_slice %arg9[%add3A_9, %dma_start3A] : memref<10240x128xf32, #tpu.memory_space<vmem_shared>> -> memref<128x128xf32, #tpu.memory_space<vmem_shared>>
      %dma_start3A_40 = arith.constant 0 : i32
      %dma_start3A_41 = tpu.memref_slice %arg9[%add3A_9, %dma_start3A_40] : memref<10240x128xf32, #tpu.memory_space<vmem_shared>> -> memref<128x128xf32, #tpu.memory_space<vmem_shared>>
      tpu.enqueue_dma source(%arg8 : memref<128x128xf32, #tpu.memory_space<vmem>>) target(%dma_start3A_41 : memref<128x128xf32, #tpu.memory_space<vmem_shared>>) target_semaphore(%run_scoped3A : memref<!tpu.dma_semaphore, #tpu.memory_space<semaphore_mem>>)
      %dma_wait3A = arith.constant 0 : i32
      %dma_wait3A_42 = tpu.memref_slice %arg9[%add3A_9, %dma_wait3A] : memref<10240x128xf32, #tpu.memory_space<vmem_shared>> -> memref<128x128xf32, #tpu.memory_space<vmem_shared>>
      %dma_wait3A_43 = arith.constant 0 : i32
      %dma_wait3A_44 = tpu.memref_slice %arg9[%add3A_9, %dma_wait3A_43] : memref<10240x128xf32, #tpu.memory_space<vmem_shared>> -> memref<128x128xf32, #tpu.memory_space<vmem_shared>>
      tpu.wait_dma2 semaphore(%run_scoped3A : memref<!tpu.dma_semaphore, #tpu.memory_space<semaphore_mem>>) src(%arg8 : memref<128x128xf32, #tpu.memory_space<vmem>>) dst(%dma_wait3A_44 : memref<128x128xf32, #tpu.memory_space<vmem_shared>>)
      tpu.yield
    }) : () -> ()
    %mul3A_10 = arith.constant 640 : i32
    %mul3A_11 = arith.muli %arg1, %mul3A_10 : i32
    %add3A_12 = arith.constant 128 : i32
    %add3A_13 = arith.addi %mul3A_11, %add3A_12 : i32
    "tpu.region"() ({
      %run_scoped3A = tpu.sem_alloc : memref<!tpu.dma_semaphore, #tpu.memory_space<semaphore_mem>>
      %dma_start3A = arith.constant 0 : i32
      %dma_start3A_39 = tpu.memref_slice %arg9[%add3A_13, %dma_start3A] : memref<10240x128xf32, #tpu.memory_space<vmem_shared>> -> memref<128x128xf32, #tpu.memory_space<vmem_shared>>
      %dma_start3A_40 = arith.constant 0 : i32
      %dma_start3A_41 = tpu.memref_slice %arg9[%add3A_13, %dma_start3A_40] : memref<10240x128xf32, #tpu.memory_space<vmem_shared>> -> memref<128x128xf32, #tpu.memory_space<vmem_shared>>
      tpu.enqueue_dma source(%arg8 : memref<128x128xf32, #tpu.memory_space<vmem>>) target(%dma_start3A_41 : memref<128x128xf32, #tpu.memory_space<vmem_shared>>) target_semaphore(%run_scoped3A : memref<!tpu.dma_semaphore, #tpu.memory_space<semaphore_mem>>)
      %dma_wait3A = arith.constant 0 : i32
      %dma_wait3A_42 = tpu.memref_slice %arg9[%add3A_13, %dma_wait3A] : memref<10240x128xf32, #tpu.memory_space<vmem_shared>> -> memref<128x128xf32, #tpu.memory_space<vmem_shared>>
      %dma_wait3A_43 = arith.constant 0 : i32
      %dma_wait3A_44 = tpu.memref_slice %arg9[%add3A_13, %dma_wait3A_43] : memref<10240x128xf32, #tpu.memory_space<vmem_shared>> -> memref<128x128xf32, #tpu.memory_space<vmem_shared>>
      tpu.wait_dma2 semaphore(%run_scoped3A : memref<!tpu.dma_semaphore, #tpu.memory_space<semaphore_mem>>) src(%arg8 : memref<128x128xf32, #tpu.memory_space<vmem>>) dst(%dma_wait3A_44 : memref<128x128xf32, #tpu.memory_space<vmem_shared>>)
      tpu.yield
    }) : () -> ()
    %mul3A_14 = arith.constant 640 : i32
    %mul3A_15 = arith.muli %arg1, %mul3A_14 : i32
    %add3A_16 = arith.constant 256 : i32
    %add3A_17 = arith.addi %mul3A_15, %add3A_16 : i32
    "tpu.region"() ({
      %run_scoped3A = tpu.sem_alloc : memref<!tpu.dma_semaphore, #tpu.memory_space<semaphore_mem>>
      %dma_start3A = arith.constant 0 : i32
      %dma_start3A_39 = tpu.memref_slice %arg9[%add3A_17, %dma_start3A] : memref<10240x128xf32, #tpu.memory_space<vmem_shared>> -> memref<128x128xf32, #tpu.memory_space<vmem_shared>>
      %dma_start3A_40 = arith.constant 0 : i32
      %dma_start3A_41 = tpu.memref_slice %arg9[%add3A_17, %dma_start3A_40] : memref<10240x128xf32, #tpu.memory_space<vmem_shared>> -> memref<128x128xf32, #tpu.memory_space<vmem_shared>>
      tpu.enqueue_dma source(%arg8 : memref<128x128xf32, #tpu.memory_space<vmem>>) target(%dma_start3A_41 : memref<128x128xf32, #tpu.memory_space<vmem_shared>>) target_semaphore(%run_scoped3A : memref<!tpu.dma_semaphore, #tpu.memory_space<semaphore_mem>>)
      %dma_wait3A = arith.constant 0 : i32
      %dma_wait3A_42 = tpu.memref_slice %arg9[%add3A_17, %dma_wait3A] : memref<10240x128xf32, #tpu.memory_space<vmem_shared>> -> memref<128x128xf32, #tpu.memory_space<vmem_shared>>
      %dma_wait3A_43 = arith.constant 0 : i32
      %dma_wait3A_44 = tpu.memref_slice %arg9[%add3A_17, %dma_wait3A_43] : memref<10240x128xf32, #tpu.memory_space<vmem_shared>> -> memref<128x128xf32, #tpu.memory_space<vmem_shared>>
      tpu.wait_dma2 semaphore(%run_scoped3A : memref<!tpu.dma_semaphore, #tpu.memory_space<semaphore_mem>>) src(%arg8 : memref<128x128xf32, #tpu.memory_space<vmem>>) dst(%dma_wait3A_44 : memref<128x128xf32, #tpu.memory_space<vmem_shared>>)
      tpu.yield
    }) : () -> ()
    %mul3A_18 = arith.constant 640 : i32
    %mul3A_19 = arith.muli %arg1, %mul3A_18 : i32
    %add3A_20 = arith.constant 384 : i32
    %add3A_21 = arith.addi %mul3A_19, %add3A_20 : i32
    "tpu.region"() ({
      %run_scoped3A = tpu.sem_alloc : memref<!tpu.dma_semaphore, #tpu.memory_space<semaphore_mem>>
      %dma_start3A = arith.constant 0 : i32
      %dma_start3A_39 = tpu.memref_slice %arg9[%add3A_21, %dma_start3A] : memref<10240x128xf32, #tpu.memory_space<vmem_shared>> -> memref<128x128xf32, #tpu.memory_space<vmem_shared>>
      %dma_start3A_40 = arith.constant 0 : i32
      %dma_start3A_41 = tpu.memref_slice %arg9[%add3A_21, %dma_start3A_40] : memref<10240x128xf32, #tpu.memory_space<vmem_shared>> -> memref<128x128xf32, #tpu.memory_space<vmem_shared>>
      tpu.enqueue_dma source(%arg8 : memref<128x128xf32, #tpu.memory_space<vmem>>) target(%dma_start3A_41 : memref<128x128xf32, #tpu.memory_space<vmem_shared>>) target_semaphore(%run_scoped3A : memref<!tpu.dma_semaphore, #tpu.memory_space<semaphore_mem>>)
      %dma_wait3A = arith.constant 0 : i32
      %dma_wait3A_42 = tpu.memref_slice %arg9[%add3A_21, %dma_wait3A] : memref<10240x128xf32, #tpu.memory_space<vmem_shared>> -> memref<128x128xf32, #tpu.memory_space<vmem_shared>>
      %dma_wait3A_43 = arith.constant 0 : i32
      %dma_wait3A_44 = tpu.memref_slice %arg9[%add3A_21, %dma_wait3A_43] : memref<10240x128xf32, #tpu.memory_space<vmem_shared>> -> memref<128x128xf32, #tpu.memory_space<vmem_shared>>
      tpu.wait_dma2 semaphore(%run_scoped3A : memref<!tpu.dma_semaphore, #tpu.memory_space<semaphore_mem>>) src(%arg8 : memref<128x128xf32, #tpu.memory_space<vmem>>) dst(%dma_wait3A_44 : memref<128x128xf32, #tpu.memory_space<vmem_shared>>)
      tpu.yield
    }) : () -> ()
    %mul3A_22 = arith.constant 640 : i32
    %mul3A_23 = arith.muli %arg1, %mul3A_22 : i32
    %add3A_24 = arith.constant 512 : i32
    %add3A_25 = arith.addi %mul3A_23, %add3A_24 : i32
    "tpu.region"() ({
      %run_scoped3A = tpu.sem_alloc : memref<!tpu.dma_semaphore, #tpu.memory_space<semaphore_mem>>
      %dma_start3A = arith.constant 0 : i32
      %dma_start3A_39 = tpu.memref_slice %arg9[%add3A_25, %dma_start3A] : memref<10240x128xf32, #tpu.memory_space<vmem_shared>> -> memref<128x128xf32, #tpu.memory_space<vmem_shared>>
      %dma_start3A_40 = arith.constant 0 : i32
      %dma_start3A_41 = tpu.memref_slice %arg9[%add3A_25, %dma_start3A_40] : memref<10240x128xf32, #tpu.memory_space<vmem_shared>> -> memref<128x128xf32, #tpu.memory_space<vmem_shared>>
      tpu.enqueue_dma source(%arg8 : memref<128x128xf32, #tpu.memory_space<vmem>>) target(%dma_start3A_41 : memref<128x128xf32, #tpu.memory_space<vmem_shared>>) target_semaphore(%run_scoped3A : memref<!tpu.dma_semaphore, #tpu.memory_space<semaphore_mem>>)
      %dma_wait3A = arith.constant 0 : i32
      %dma_wait3A_42 = tpu.memref_slice %arg9[%add3A_25, %dma_wait3A] : memref<10240x128xf32, #tpu.memory_space<vmem_shared>> -> memref<128x128xf32, #tpu.memory_space<vmem_shared>>
      %dma_wait3A_43 = arith.constant 0 : i32
      %dma_wait3A_44 = tpu.memref_slice %arg9[%add3A_25, %dma_wait3A_43] : memref<10240x128xf32, #tpu.memory_space<vmem_shared>> -> memref<128x128xf32, #tpu.memory_space<vmem_shared>>
      tpu.wait_dma2 semaphore(%run_scoped3A : memref<!tpu.dma_semaphore, #tpu.memory_space<semaphore_mem>>) src(%arg8 : memref<128x128xf32, #tpu.memory_space<vmem>>) dst(%dma_wait3A_44 : memref<128x128xf32, #tpu.memory_space<vmem_shared>>)
      tpu.yield
    }) : () -> ()
    %barrier3A = arith.constant 0 : index
    tpu.barrier barrier_id(%barrier3A)
    %mul3A_26 = arith.constant 10112 : i32
    %mul3A_27 = arith.muli %add3A, %mul3A_26 : i32
    %scan3A_28 = arith.constant 0 : i32
    %scan3A_29 = arith.constant 0 : i32
    %scan3A_30 = arith.constant 79 : i32
    %scan3A_31 = arith.addi %scan3A_29, %scan3A_30 : i32
    %scan3A_32 = arith.constant 1 : i32
    scf.for %scan3A_39 = %scan3A_29 to %scan3A_31 step %scan3A_32  : i32 {
      %mul3A_40 = arith.constant 128 : i32
      %mul3A_41 = arith.muli %scan3A_39, %mul3A_40 : i32
      %add3A_42 = arith.addi %mul3A_27, %mul3A_41 : i32
      %multiple_of3A = tpu.assume_multiple %add3A_42, 8 : i32
      "tpu.region"() ({
        %run_scoped3A = tpu.sem_alloc : memref<!tpu.dma_semaphore, #tpu.memory_space<semaphore_mem>>
        %dma_start3A_47 = tpu.memref_slice %arg3[%multiple_of3A] : memref<323584xi32, #tpu.memory_space<hbm>> -> memref<128xi32, #tpu.memory_space<hbm>>
        %dma_start3A_48 = tpu.memref_slice %arg3[%multiple_of3A] : memref<323584xi32, #tpu.memory_space<hbm>> -> memref<128xi32, #tpu.memory_space<hbm>>
        tpu.enqueue_dma source(%dma_start3A_48 : memref<128xi32, #tpu.memory_space<hbm>>) target(%arg6 : memref<128xi32, #tpu.memory_space<vmem>>) target_semaphore(%run_scoped3A : memref<!tpu.dma_semaphore, #tpu.memory_space<semaphore_mem>>)
        %dma_wait3A_49 = tpu.memref_slice %arg3[%multiple_of3A] : memref<323584xi32, #tpu.memory_space<hbm>> -> memref<128xi32, #tpu.memory_space<hbm>>
        %dma_wait3A_50 = tpu.memref_slice %arg3[%multiple_of3A] : memref<323584xi32, #tpu.memory_space<hbm>> -> memref<128xi32, #tpu.memory_space<hbm>>
        tpu.wait_dma2 semaphore(%run_scoped3A : memref<!tpu.dma_semaphore, #tpu.memory_space<semaphore_mem>>) src(%dma_wait3A_50 : memref<128xi32, #tpu.memory_space<hbm>>) dst(%arg6 : memref<128xi32, #tpu.memory_space<vmem>>)
        tpu.yield
      }) : () -> ()
      "tpu.region"() ({
        %run_scoped3A = tpu.sem_alloc : memref<!tpu.dma_semaphore, #tpu.memory_space<semaphore_mem>>
        %dma_start3A_47 = tpu.memref_slice %arg4[%multiple_of3A] : memref<323584xi32, #tpu.memory_space<hbm>> -> memref<128xi32, #tpu.memory_space<hbm>>
        %dma_start3A_48 = tpu.memref_slice %arg4[%multiple_of3A] : memref<323584xi32, #tpu.memory_space<hbm>> -> memref<128xi32, #tpu.memory_space<hbm>>
        tpu.enqueue_dma source(%dma_start3A_48 : memref<128xi32, #tpu.memory_space<hbm>>) target(%arg7 : memref<128xi32, #tpu.memory_space<vmem>>) target_semaphore(%run_scoped3A : memref<!tpu.dma_semaphore, #tpu.memory_space<semaphore_mem>>)
        %dma_wait3A_49 = tpu.memref_slice %arg4[%multiple_of3A] : memref<323584xi32, #tpu.memory_space<hbm>> -> memref<128xi32, #tpu.memory_space<hbm>>
        %dma_wait3A_50 = tpu.memref_slice %arg4[%multiple_of3A] : memref<323584xi32, #tpu.memory_space<hbm>> -> memref<128xi32, #tpu.memory_space<hbm>>
        tpu.wait_dma2 semaphore(%run_scoped3A : memref<!tpu.dma_semaphore, #tpu.memory_space<semaphore_mem>>) src(%dma_wait3A_50 : memref<128xi32, #tpu.memory_space<hbm>>) dst(%arg7 : memref<128xi32, #tpu.memory_space<vmem>>)
        tpu.yield
      }) : () -> ()
      %dma_start3A = arith.constant 0 : i32
      %dma_start3A_43 = arith.constant 0 : i32
      %dma_start3A_44 = tpu.memref_slice %arg2[%dma_start3A, %dma_start3A_43] : memref<10240x128xf32, #tpu.memory_space<hbm>> -> memref<10240x128xf32, #tpu.memory_space<hbm>>
      tpu.enqueue_indirect_dma source(%dma_start3A_44 : memref<10240x128xf32, #tpu.memory_space<hbm>>) target(%arg8 : memref<128x128xf32, #tpu.memory_space<vmem>>) offsets(%arg6 : memref<128xi32, #tpu.memory_space<vmem>>) semaphore(%arg10 : memref<!tpu.dma_semaphore, #tpu.memory_space<semaphore_mem>>)
      %dma_wait3A = arith.constant 0 : i32
      %dma_wait3A_45 = arith.constant 0 : i32
      %dma_wait3A_46 = tpu.memref_slice %arg2[%dma_wait3A, %dma_wait3A_45] : memref<10240x128xf32, #tpu.memory_space<hbm>> -> memref<10240x128xf32, #tpu.memory_space<hbm>>
      tpu.wait_indirect_dma semaphore(%arg10 : memref<!tpu.dma_semaphore, #tpu.memory_space<semaphore_mem>>) src(%dma_wait3A_46 : memref<10240x128xf32, #tpu.memory_space<hbm>>) dst(%arg8 : memref<128x128xf32, #tpu.memory_space<vmem>>)
      "tpu.region"() ({
        %run_scoped3A = tpu.sem_alloc : memref<!tpu.dma_semaphore, #tpu.memory_space<semaphore_mem>>
        %dma_start3A_47 = arith.constant 0 : i32
        %dma_start3A_48 = arith.constant 0 : i32
        %dma_start3A_49 = tpu.memref_slice %arg9[%dma_start3A_47, %dma_start3A_48] : memref<10240x128xf32, #tpu.memory_space<vmem_shared>> -> memref<10240x128xf32, #tpu.memory_space<vmem_shared>>
        tpu.enqueue_indirect_dma source(%arg8 : memref<128x128xf32, #tpu.memory_space<vmem>>) target(%dma_start3A_49 : memref<10240x128xf32, #tpu.memory_space<vmem_shared>>) offsets(%arg7 : memref<128xi32, #tpu.memory_space<vmem>>) semaphore(%run_scoped3A : memref<!tpu.dma_semaphore, #tpu.memory_space<semaphore_mem>>) {add = true}
        %dma_wait3A_50 = arith.constant 0 : i32
        %dma_wait3A_51 = arith.constant 0 : i32
        %dma_wait3A_52 = tpu.memref_slice %arg9[%dma_wait3A_50, %dma_wait3A_51] : memref<10240x128xf32, #tpu.memory_space<vmem_shared>> -> memref<10240x128xf32, #tpu.memory_space<vmem_shared>>
        tpu.wait_indirect_dma semaphore(%run_scoped3A : memref<!tpu.dma_semaphore, #tpu.memory_space<semaphore_mem>>) src(%arg8 : memref<128x128xf32, #tpu.memory_space<vmem>>) dst(%dma_wait3A_52 : memref<10240x128xf32, #tpu.memory_space<vmem_shared>>)
        tpu.yield
      }) : () -> ()
    }
    %scan3A_33 = arith.constant 79 : i32
    %barrier3A_34 = arith.constant 0 : index
    tpu.barrier barrier_id(%barrier3A_34)
    %mul3A_35 = arith.constant 640 : i32
    %mul3A_36 = arith.muli %arg1, %mul3A_35 : i32
    %mul3A_37 = arith.constant 640 : i32
    %mul3A_38 = arith.muli %arg1, %mul3A_37 : i32
    "tpu.region"() ({
      %run_scoped3A = tpu.sem_alloc : memref<!tpu.dma_semaphore, #tpu.memory_space<semaphore_mem>>
      %dma_start3A = arith.constant 0 : i32
      %dma_start3A_39 = tpu.memref_slice %arg5[%arg0, %mul3A_38, %dma_start3A] : memref<2x10240x128xf32, #tpu.memory_space<hbm>> -> memref<1x640x128xf32, #tpu.memory_space<hbm>>
      %dma_start3A_40 = tpu.memref_squeeze %dma_start3A_39 : memref<1x640x128xf32, #tpu.memory_space<hbm>> -> memref<640x128xf32, #tpu.memory_space<hbm>>
      %dma_start3A_41 = arith.constant 0 : i32
      %dma_start3A_42 = tpu.memref_slice %arg9[%mul3A_36, %dma_start3A_41] : memref<10240x128xf32, #tpu.memory_space<vmem_shared>> -> memref<640x128xf32, #tpu.memory_space<vmem_shared>>
      tpu.enqueue_dma source(%dma_start3A_42 : memref<640x128xf32, #tpu.memory_space<vmem_shared>>) target(%dma_start3A_40 : memref<640x128xf32, #tpu.memory_space<hbm>>) target_semaphore(%run_scoped3A : memref<!tpu.dma_semaphore, #tpu.memory_space<semaphore_mem>>)
      %dma_wait3A = arith.constant 0 : i32
      %dma_wait3A_43 = tpu.memref_slice %arg5[%arg0, %mul3A_38, %dma_wait3A] : memref<2x10240x128xf32, #tpu.memory_space<hbm>> -> memref<1x640x128xf32, #tpu.memory_space<hbm>>
      %dma_wait3A_44 = tpu.memref_squeeze %dma_wait3A_43 : memref<1x640x128xf32, #tpu.memory_space<hbm>> -> memref<640x128xf32, #tpu.memory_space<hbm>>
      %dma_wait3A_45 = arith.constant 0 : i32
      %dma_wait3A_46 = tpu.memref_slice %arg9[%mul3A_36, %dma_wait3A_45] : memref<10240x128xf32, #tpu.memory_space<vmem_shared>> -> memref<640x128xf32, #tpu.memory_space<vmem_shared>>
      tpu.wait_dma2 semaphore(%run_scoped3A : memref<!tpu.dma_semaphore, #tpu.memory_space<semaphore_mem>>) src(%dma_wait3A_46 : memref<640x128xf32, #tpu.memory_space<vmem_shared>>) dst(%dma_wait3A_44 : memref<640x128xf32, #tpu.memory_space<hbm>>)
      tpu.yield
    }) : () -> ()
    return
  }
}

#map = affine_map<(d0, d1) -> (0, 0)>
#map1 = affine_map<(d0, d1) -> (0)>
#map2 = affine_map<(d0, d1) -> (0, 0, 0)>
module attributes {stable_mosaic.version = 14 : i64} {
  func.func @_prop_body(%arg0: i32, %arg1: i32, %arg2: memref<10240x128xf32, #tpu.memory_space<hbm>>, %arg3: memref<323584xi32, #tpu.memory_space<hbm>>, %arg4: memref<323584xi32, #tpu.memory_space<hbm>>, %arg5: memref<2x10240x128xf32, #tpu.memory_space<hbm>>, %arg6: memref<128xi32, #tpu.memory_space<vmem>>, %arg7: memref<128xi32, #tpu.memory_space<vmem>>, %arg8: memref<128x128xf32, #tpu.memory_space<vmem>>, %arg9: memref<10240x128xf32, #tpu.memory_space<vmem_shared>>, %arg10: memref<!tpu.dma_semaphore, #tpu.memory_space<semaphore_mem>>) attributes {dimension_semantics = [#tpu.dimension_semantics<core_parallel>, #tpu.dimension_semantics<subcore_parallel>], iteration_bounds = array<i64: 2, 16>, scalar_prefetch = 0 : i64, scratch_operands = 5 : i64, tpu.core_type = #tpu.core_type<sc_vector_subcore>, window_params = [{transform_indices = #map}, {transform_indices = #map1}, {transform_indices = #map1}, {transform_indices = #map2}]} {
    %mul3A = arith.constant 2 : i32
    %mul3A_0 = arith.muli %arg1, %mul3A : i32
    %add3A = arith.addi %mul3A_0, %arg0 : i32
    %scan3A = arith.constant 0 : i32
    %scan3A_1 = arith.constant 0 : i32
    %scan3A_2 = arith.constant 128 : i32
    %scan3A_3 = arith.addi %scan3A_1, %scan3A_2 : i32
    %scan3A_4 = arith.constant 1 : i32
    scf.for %scan3A_39 = %scan3A_1 to %scan3A_3 step %scan3A_4  : i32 {
      %broadcast_in_dim3A = arith.constant 0.000000e+00 : f32
      %broadcast_in_dim3A_40 = vector.broadcast %broadcast_in_dim3A : f32 to vector<16xf32>
      %swap3A = arith.index_cast %scan3A_39 : i32 to index
      %swap3A_41 = arith.constant 0 : index
      %swap3A_42 = tpu.vector_load %arg8[%swap3A, %swap3A_41] {strides = array<i32>} : memref<128x128xf32, #tpu.memory_space<vmem>>, vector<1x16xf32>,
      %swap3A_43 = vector.shape_cast %swap3A_42 : vector<1x16xf32> to vector<16xf32>
      %swap3A_44 = vector.shape_cast %broadcast_in_dim3A_40 : vector<16xf32> to vector<1x16xf32>
      tpu.vector_store %arg8[%swap3A, %swap3A_41], %swap3A_44 {strides = array<i32>} : memref<128x128xf32, #tpu.memory_space<vmem>>, vector<1x16xf32>,
      %broadcast_in_dim3A_45 = arith.constant 0.000000e+00 : f32
      %broadcast_in_dim3A_46 = vector.broadcast %broadcast_in_dim3A_45 : f32 to vector<16xf32>
      %swap3A_47 = arith.index_cast %scan3A_39 : i32 to index
      %swap3A_48 = arith.constant 16 : index
      %swap3A_49 = tpu.vector_load %arg8[%swap3A_47, %swap3A_48] {strides = array<i32>} : memref<128x128xf32, #tpu.memory_space<vmem>>, vector<1x16xf32>,
      %swap3A_50 = vector.shape_cast %swap3A_49 : vector<1x16xf32> to vector<16xf32>
      %swap3A_51 = vector.shape_cast %broadcast_in_dim3A_46 : vector<16xf32> to vector<1x16xf32>
      tpu.vector_store %arg8[%swap3A_47, %swap3A_48], %swap3A_51 {strides = array<i32>} : memref<128x128xf32, #tpu.memory_space<vmem>>, vector<1x16xf32>,
      %broadcast_in_dim3A_52 = arith.constant 0.000000e+00 : f32
      %broadcast_in_dim3A_53 = vector.broadcast %broadcast_in_dim3A_52 : f32 to vector<16xf32>
      %swap3A_54 = arith.index_cast %scan3A_39 : i32 to index
      %swap3A_55 = arith.constant 32 : index
      %swap3A_56 = tpu.vector_load %arg8[%swap3A_54, %swap3A_55] {strides = array<i32>} : memref<128x128xf32, #tpu.memory_space<vmem>>, vector<1x16xf32>,
      %swap3A_57 = vector.shape_cast %swap3A_56 : vector<1x16xf32> to vector<16xf32>
      %swap3A_58 = vector.shape_cast %broadcast_in_dim3A_53 : vector<16xf32> to vector<1x16xf32>
      tpu.vector_store %arg8[%swap3A_54, %swap3A_55], %swap3A_58 {strides = array<i32>} : memref<128x128xf32, #tpu.memory_space<vmem>>, vector<1x16xf32>,
      %broadcast_in_dim3A_59 = arith.constant 0.000000e+00 : f32
      %broadcast_in_dim3A_60 = vector.broadcast %broadcast_in_dim3A_59 : f32 to vector<16xf32>
      %swap3A_61 = arith.index_cast %scan3A_39 : i32 to index
      %swap3A_62 = arith.constant 48 : index
      %swap3A_63 = tpu.vector_load %arg8[%swap3A_61, %swap3A_62] {strides = array<i32>} : memref<128x128xf32, #tpu.memory_space<vmem>>, vector<1x16xf32>,
      %swap3A_64 = vector.shape_cast %swap3A_63 : vector<1x16xf32> to vector<16xf32>
      %swap3A_65 = vector.shape_cast %broadcast_in_dim3A_60 : vector<16xf32> to vector<1x16xf32>
      tpu.vector_store %arg8[%swap3A_61, %swap3A_62], %swap3A_65 {strides = array<i32>} : memref<128x128xf32, #tpu.memory_space<vmem>>, vector<1x16xf32>,
      %broadcast_in_dim3A_66 = arith.constant 0.000000e+00 : f32
      %broadcast_in_dim3A_67 = vector.broadcast %broadcast_in_dim3A_66 : f32 to vector<16xf32>
      %swap3A_68 = arith.index_cast %scan3A_39 : i32 to index
      %swap3A_69 = arith.constant 64 : index
      %swap3A_70 = tpu.vector_load %arg8[%swap3A_68, %swap3A_69] {strides = array<i32>} : memref<128x128xf32, #tpu.memory_space<vmem>>, vector<1x16xf32>,
      %swap3A_71 = vector.shape_cast %swap3A_70 : vector<1x16xf32> to vector<16xf32>
      %swap3A_72 = vector.shape_cast %broadcast_in_dim3A_67 : vector<16xf32> to vector<1x16xf32>
      tpu.vector_store %arg8[%swap3A_68, %swap3A_69], %swap3A_72 {strides = array<i32>} : memref<128x128xf32, #tpu.memory_space<vmem>>, vector<1x16xf32>,
      %broadcast_in_dim3A_73 = arith.constant 0.000000e+00 : f32
      %broadcast_in_dim3A_74 = vector.broadcast %broadcast_in_dim3A_73 : f32 to vector<16xf32>
      %swap3A_75 = arith.index_cast %scan3A_39 : i32 to index
      %swap3A_76 = arith.constant 80 : index
      %swap3A_77 = tpu.vector_load %arg8[%swap3A_75, %swap3A_76] {strides = array<i32>} : memref<128x128xf32, #tpu.memory_space<vmem>>, vector<1x16xf32>,
      %swap3A_78 = vector.shape_cast %swap3A_77 : vector<1x16xf32> to vector<16xf32>
      %swap3A_79 = vector.shape_cast %broadcast_in_dim3A_74 : vector<16xf32> to vector<1x16xf32>
      tpu.vector_store %arg8[%swap3A_75, %swap3A_76], %swap3A_79 {strides = array<i32>} : memref<128x128xf32, #tpu.memory_space<vmem>>, vector<1x16xf32>,
      %broadcast_in_dim3A_80 = arith.constant 0.000000e+00 : f32
      %broadcast_in_dim3A_81 = vector.broadcast %broadcast_in_dim3A_80 : f32 to vector<16xf32>
      %swap3A_82 = arith.index_cast %scan3A_39 : i32 to index
      %swap3A_83 = arith.constant 96 : index
      %swap3A_84 = tpu.vector_load %arg8[%swap3A_82, %swap3A_83] {strides = array<i32>} : memref<128x128xf32, #tpu.memory_space<vmem>>, vector<1x16xf32>,
      %swap3A_85 = vector.shape_cast %swap3A_84 : vector<1x16xf32> to vector<16xf32>
      %swap3A_86 = vector.shape_cast %broadcast_in_dim3A_81 : vector<16xf32> to vector<1x16xf32>
      tpu.vector_store %arg8[%swap3A_82, %swap3A_83], %swap3A_86 {strides = array<i32>} : memref<128x128xf32, #tpu.memory_space<vmem>>, vector<1x16xf32>,
      %broadcast_in_dim3A_87 = arith.constant 0.000000e+00 : f32
      %broadcast_in_dim3A_88 = vector.broadcast %broadcast_in_dim3A_87 : f32 to vector<16xf32>
      %swap3A_89 = arith.index_cast %scan3A_39 : i32 to index
      %swap3A_90 = arith.constant 112 : index
      %swap3A_91 = tpu.vector_load %arg8[%swap3A_89, %swap3A_90] {strides = array<i32>} : memref<128x128xf32, #tpu.memory_space<vmem>>, vector<1x16xf32>,
      %swap3A_92 = vector.shape_cast %swap3A_91 : vector<1x16xf32> to vector<16xf32>
      %swap3A_93 = vector.shape_cast %broadcast_in_dim3A_88 : vector<16xf32> to vector<1x16xf32>
      tpu.vector_store %arg8[%swap3A_89, %swap3A_90], %swap3A_93 {strides = array<i32>} : memref<128x128xf32, #tpu.memory_space<vmem>>, vector<1x16xf32>,
    }
    %scan3A_5 = arith.constant 128 : i32
    %mul3A_6 = arith.constant 640 : i32
    %mul3A_7 = arith.muli %arg1, %mul3A_6 : i32
    %add3A_8 = arith.constant 0 : i32
    %add3A_9 = arith.addi %mul3A_7, %add3A_8 : i32
    "tpu.region"() ({
      %run_scoped3A = tpu.sem_alloc : memref<!tpu.dma_semaphore, #tpu.memory_space<semaphore_mem>>
      %dma_start3A = arith.constant 0 : i32
      %dma_start3A_39 = tpu.memref_slice %arg9[%add3A_9, %dma_start3A] : memref<10240x128xf32, #tpu.memory_space<vmem_shared>> -> memref<128x128xf32, #tpu.memory_space<vmem_shared>>
      %dma_start3A_40 = arith.constant 0 : i32
      %dma_start3A_41 = tpu.memref_slice %arg9[%add3A_9, %dma_start3A_40] : memref<10240x128xf32, #tpu.memory_space<vmem_shared>> -> memref<128x128xf32, #tpu.memory_space<vmem_shared>>
      tpu.enqueue_dma source(%arg8 : memref<128x128xf32, #tpu.memory_space<vmem>>) target(%dma_start3A_41 : memref<128x128xf32, #tpu.memory_space<vmem_shared>>) target_semaphore(%run_scoped3A : memref<!tpu.dma_semaphore, #tpu.memory_space<semaphore_mem>>)
      %dma_wait3A = arith.constant 0 : i32
      %dma_wait3A_42 = tpu.memref_slice %arg9[%add3A_9, %dma_wait3A] : memref<10240x128xf32, #tpu.memory_space<vmem_shared>> -> memref<128x128xf32, #tpu.memory_space<vmem_shared>>
      %dma_wait3A_43 = arith.constant 0 : i32
      %dma_wait3A_44 = tpu.memref_slice %arg9[%add3A_9, %dma_wait3A_43] : memref<10240x128xf32, #tpu.memory_space<vmem_shared>> -> memref<128x128xf32, #tpu.memory_space<vmem_shared>>
      tpu.wait_dma2 semaphore(%run_scoped3A : memref<!tpu.dma_semaphore, #tpu.memory_space<semaphore_mem>>) src(%arg8 : memref<128x128xf32, #tpu.memory_space<vmem>>) dst(%dma_wait3A_44 : memref<128x128xf32, #tpu.memory_space<vmem_shared>>)
      tpu.yield
    }) : () -> ()
    %mul3A_10 = arith.constant 640 : i32
    %mul3A_11 = arith.muli %arg1, %mul3A_10 : i32
    %add3A_12 = arith.constant 128 : i32
    %add3A_13 = arith.addi %mul3A_11, %add3A_12 : i32
    "tpu.region"() ({
      %run_scoped3A = tpu.sem_alloc : memref<!tpu.dma_semaphore, #tpu.memory_space<semaphore_mem>>
      %dma_start3A = arith.constant 0 : i32
      %dma_start3A_39 = tpu.memref_slice %arg9[%add3A_13, %dma_start3A] : memref<10240x128xf32, #tpu.memory_space<vmem_shared>> -> memref<128x128xf32, #tpu.memory_space<vmem_shared>>
      %dma_start3A_40 = arith.constant 0 : i32
      %dma_start3A_41 = tpu.memref_slice %arg9[%add3A_13, %dma_start3A_40] : memref<10240x128xf32, #tpu.memory_space<vmem_shared>> -> memref<128x128xf32, #tpu.memory_space<vmem_shared>>
      tpu.enqueue_dma source(%arg8 : memref<128x128xf32, #tpu.memory_space<vmem>>) target(%dma_start3A_41 : memref<128x128xf32, #tpu.memory_space<vmem_shared>>) target_semaphore(%run_scoped3A : memref<!tpu.dma_semaphore, #tpu.memory_space<semaphore_mem>>)
      %dma_wait3A = arith.constant 0 : i32
      %dma_wait3A_42 = tpu.memref_slice %arg9[%add3A_13, %dma_wait3A] : memref<10240x128xf32, #tpu.memory_space<vmem_shared>> -> memref<128x128xf32, #tpu.memory_space<vmem_shared>>
      %dma_wait3A_43 = arith.constant 0 : i32
      %dma_wait3A_44 = tpu.memref_slice %arg9[%add3A_13, %dma_wait3A_43] : memref<10240x128xf32, #tpu.memory_space<vmem_shared>> -> memref<128x128xf32, #tpu.memory_space<vmem_shared>>
      tpu.wait_dma2 semaphore(%run_scoped3A : memref<!tpu.dma_semaphore, #tpu.memory_space<semaphore_mem>>) src(%arg8 : memref<128x128xf32, #tpu.memory_space<vmem>>) dst(%dma_wait3A_44 : memref<128x128xf32, #tpu.memory_space<vmem_shared>>)
      tpu.yield
    }) : () -> ()
    %mul3A_14 = arith.constant 640 : i32
    %mul3A_15 = arith.muli %arg1, %mul3A_14 : i32
    %add3A_16 = arith.constant 256 : i32
    %add3A_17 = arith.addi %mul3A_15, %add3A_16 : i32
    "tpu.region"() ({
      %run_scoped3A = tpu.sem_alloc : memref<!tpu.dma_semaphore, #tpu.memory_space<semaphore_mem>>
      %dma_start3A = arith.constant 0 : i32
      %dma_start3A_39 = tpu.memref_slice %arg9[%add3A_17, %dma_start3A] : memref<10240x128xf32, #tpu.memory_space<vmem_shared>> -> memref<128x128xf32, #tpu.memory_space<vmem_shared>>
      %dma_start3A_40 = arith.constant 0 : i32
      %dma_start3A_41 = tpu.memref_slice %arg9[%add3A_17, %dma_start3A_40] : memref<10240x128xf32, #tpu.memory_space<vmem_shared>> -> memref<128x128xf32, #tpu.memory_space<vmem_shared>>
      tpu.enqueue_dma source(%arg8 : memref<128x128xf32, #tpu.memory_space<vmem>>) target(%dma_start3A_41 : memref<128x128xf32, #tpu.memory_space<vmem_shared>>) target_semaphore(%run_scoped3A : memref<!tpu.dma_semaphore, #tpu.memory_space<semaphore_mem>>)
      %dma_wait3A = arith.constant 0 : i32
      %dma_wait3A_42 = tpu.memref_slice %arg9[%add3A_17, %dma_wait3A] : memref<10240x128xf32, #tpu.memory_space<vmem_shared>> -> memref<128x128xf32, #tpu.memory_space<vmem_shared>>
      %dma_wait3A_43 = arith.constant 0 : i32
      %dma_wait3A_44 = tpu.memref_slice %arg9[%add3A_17, %dma_wait3A_43] : memref<10240x128xf32, #tpu.memory_space<vmem_shared>> -> memref<128x128xf32, #tpu.memory_space<vmem_shared>>
      tpu.wait_dma2 semaphore(%run_scoped3A : memref<!tpu.dma_semaphore, #tpu.memory_space<semaphore_mem>>) src(%arg8 : memref<128x128xf32, #tpu.memory_space<vmem>>) dst(%dma_wait3A_44 : memref<128x128xf32, #tpu.memory_space<vmem_shared>>)
      tpu.yield
    }) : () -> ()
    %mul3A_18 = arith.constant 640 : i32
    %mul3A_19 = arith.muli %arg1, %mul3A_18 : i32
    %add3A_20 = arith.constant 384 : i32
    %add3A_21 = arith.addi %mul3A_19, %add3A_20 : i32
    "tpu.region"() ({
      %run_scoped3A = tpu.sem_alloc : memref<!tpu.dma_semaphore, #tpu.memory_space<semaphore_mem>>
      %dma_start3A = arith.constant 0 : i32
      %dma_start3A_39 = tpu.memref_slice %arg9[%add3A_21, %dma_start3A] : memref<10240x128xf32, #tpu.memory_space<vmem_shared>> -> memref<128x128xf32, #tpu.memory_space<vmem_shared>>
      %dma_start3A_40 = arith.constant 0 : i32
      %dma_start3A_41 = tpu.memref_slice %arg9[%add3A_21, %dma_start3A_40] : memref<10240x128xf32, #tpu.memory_space<vmem_shared>> -> memref<128x128xf32, #tpu.memory_space<vmem_shared>>
      tpu.enqueue_dma source(%arg8 : memref<128x128xf32, #tpu.memory_space<vmem>>) target(%dma_start3A_41 : memref<128x128xf32, #tpu.memory_space<vmem_shared>>) target_semaphore(%run_scoped3A : memref<!tpu.dma_semaphore, #tpu.memory_space<semaphore_mem>>)
      %dma_wait3A = arith.constant 0 : i32
      %dma_wait3A_42 = tpu.memref_slice %arg9[%add3A_21, %dma_wait3A] : memref<10240x128xf32, #tpu.memory_space<vmem_shared>> -> memref<128x128xf32, #tpu.memory_space<vmem_shared>>
      %dma_wait3A_43 = arith.constant 0 : i32
      %dma_wait3A_44 = tpu.memref_slice %arg9[%add3A_21, %dma_wait3A_43] : memref<10240x128xf32, #tpu.memory_space<vmem_shared>> -> memref<128x128xf32, #tpu.memory_space<vmem_shared>>
      tpu.wait_dma2 semaphore(%run_scoped3A : memref<!tpu.dma_semaphore, #tpu.memory_space<semaphore_mem>>) src(%arg8 : memref<128x128xf32, #tpu.memory_space<vmem>>) dst(%dma_wait3A_44 : memref<128x128xf32, #tpu.memory_space<vmem_shared>>)
      tpu.yield
    }) : () -> ()
    %mul3A_22 = arith.constant 640 : i32
    %mul3A_23 = arith.muli %arg1, %mul3A_22 : i32
    %add3A_24 = arith.constant 512 : i32
    %add3A_25 = arith.addi %mul3A_23, %add3A_24 : i32
    "tpu.region"() ({
      %run_scoped3A = tpu.sem_alloc : memref<!tpu.dma_semaphore, #tpu.memory_space<semaphore_mem>>
      %dma_start3A = arith.constant 0 : i32
      %dma_start3A_39 = tpu.memref_slice %arg9[%add3A_25, %dma_start3A] : memref<10240x128xf32, #tpu.memory_space<vmem_shared>> -> memref<128x128xf32, #tpu.memory_space<vmem_shared>>
      %dma_start3A_40 = arith.constant 0 : i32
      %dma_start3A_41 = tpu.memref_slice %arg9[%add3A_25, %dma_start3A_40] : memref<10240x128xf32, #tpu.memory_space<vmem_shared>> -> memref<128x128xf32, #tpu.memory_space<vmem_shared>>
      tpu.enqueue_dma source(%arg8 : memref<128x128xf32, #tpu.memory_space<vmem>>) target(%dma_start3A_41 : memref<128x128xf32, #tpu.memory_space<vmem_shared>>) target_semaphore(%run_scoped3A : memref<!tpu.dma_semaphore, #tpu.memory_space<semaphore_mem>>)
      %dma_wait3A = arith.constant 0 : i32
      %dma_wait3A_42 = tpu.memref_slice %arg9[%add3A_25, %dma_wait3A] : memref<10240x128xf32, #tpu.memory_space<vmem_shared>> -> memref<128x128xf32, #tpu.memory_space<vmem_shared>>
      %dma_wait3A_43 = arith.constant 0 : i32
      %dma_wait3A_44 = tpu.memref_slice %arg9[%add3A_25, %dma_wait3A_43] : memref<10240x128xf32, #tpu.memory_space<vmem_shared>> -> memref<128x128xf32, #tpu.memory_space<vmem_shared>>
      tpu.wait_dma2 semaphore(%run_scoped3A : memref<!tpu.dma_semaphore, #tpu.memory_space<semaphore_mem>>) src(%arg8 : memref<128x128xf32, #tpu.memory_space<vmem>>) dst(%dma_wait3A_44 : memref<128x128xf32, #tpu.memory_space<vmem_shared>>)
      tpu.yield
    }) : () -> ()
    %barrier3A = arith.constant 0 : index
    tpu.barrier barrier_id(%barrier3A)
    %mul3A_26 = arith.constant 10112 : i32
    %mul3A_27 = arith.muli %add3A, %mul3A_26 : i32
    %scan3A_28 = arith.constant 0 : i32
    %scan3A_29 = arith.constant 0 : i32
    %scan3A_30 = arith.constant 79 : i32
    %scan3A_31 = arith.addi %scan3A_29, %scan3A_30 : i32
    %scan3A_32 = arith.constant 1 : i32
    scf.for %scan3A_39 = %scan3A_29 to %scan3A_31 step %scan3A_32  : i32 {
      %mul3A_40 = arith.constant 128 : i32
      %mul3A_41 = arith.muli %scan3A_39, %mul3A_40 : i32
      %add3A_42 = arith.addi %mul3A_27, %mul3A_41 : i32
      %multiple_of3A = tpu.assume_multiple %add3A_42, 8 : i32
      "tpu.region"() ({
        %run_scoped3A = tpu.sem_alloc : memref<!tpu.dma_semaphore, #tpu.memory_space<semaphore_mem>>
        %dma_start3A_47 = tpu.memref_slice %arg3[%multiple_of3A] : memref<323584xi32, #tpu.memory_space<hbm>> -> memref<128xi32, #tpu.memory_space<hbm>>
        %dma_start3A_48 = tpu.memref_slice %arg3[%multiple_of3A] : memref<323584xi32, #tpu.memory_space<hbm>> -> memref<128xi32, #tpu.memory_space<hbm>>
        tpu.enqueue_dma source(%dma_start3A_48 : memref<128xi32, #tpu.memory_space<hbm>>) target(%arg6 : memref<128xi32, #tpu.memory_space<vmem>>) target_semaphore(%run_scoped3A : memref<!tpu.dma_semaphore, #tpu.memory_space<semaphore_mem>>)
        %dma_wait3A_49 = tpu.memref_slice %arg3[%multiple_of3A] : memref<323584xi32, #tpu.memory_space<hbm>> -> memref<128xi32, #tpu.memory_space<hbm>>
        %dma_wait3A_50 = tpu.memref_slice %arg3[%multiple_of3A] : memref<323584xi32, #tpu.memory_space<hbm>> -> memref<128xi32, #tpu.memory_space<hbm>>
        tpu.wait_dma2 semaphore(%run_scoped3A : memref<!tpu.dma_semaphore, #tpu.memory_space<semaphore_mem>>) src(%dma_wait3A_50 : memref<128xi32, #tpu.memory_space<hbm>>) dst(%arg6 : memref<128xi32, #tpu.memory_space<vmem>>)
        tpu.yield
      }) : () -> ()
      "tpu.region"() ({
        %run_scoped3A = tpu.sem_alloc : memref<!tpu.dma_semaphore, #tpu.memory_space<semaphore_mem>>
        %dma_start3A_47 = tpu.memref_slice %arg4[%multiple_of3A] : memref<323584xi32, #tpu.memory_space<hbm>> -> memref<128xi32, #tpu.memory_space<hbm>>
        %dma_start3A_48 = tpu.memref_slice %arg4[%multiple_of3A] : memref<323584xi32, #tpu.memory_space<hbm>> -> memref<128xi32, #tpu.memory_space<hbm>>
        tpu.enqueue_dma source(%dma_start3A_48 : memref<128xi32, #tpu.memory_space<hbm>>) target(%arg7 : memref<128xi32, #tpu.memory_space<vmem>>) target_semaphore(%run_scoped3A : memref<!tpu.dma_semaphore, #tpu.memory_space<semaphore_mem>>)
        %dma_wait3A_49 = tpu.memref_slice %arg4[%multiple_of3A] : memref<323584xi32, #tpu.memory_space<hbm>> -> memref<128xi32, #tpu.memory_space<hbm>>
        %dma_wait3A_50 = tpu.memref_slice %arg4[%multiple_of3A] : memref<323584xi32, #tpu.memory_space<hbm>> -> memref<128xi32, #tpu.memory_space<hbm>>
        tpu.wait_dma2 semaphore(%run_scoped3A : memref<!tpu.dma_semaphore, #tpu.memory_space<semaphore_mem>>) src(%dma_wait3A_50 : memref<128xi32, #tpu.memory_space<hbm>>) dst(%arg7 : memref<128xi32, #tpu.memory_space<vmem>>)
        tpu.yield
      }) : () -> ()
      %dma_start3A = arith.constant 0 : i32
      %dma_start3A_43 = arith.constant 0 : i32
      %dma_start3A_44 = tpu.memref_slice %arg2[%dma_start3A, %dma_start3A_43] : memref<10240x128xf32, #tpu.memory_space<hbm>> -> memref<10240x128xf32, #tpu.memory_space<hbm>>
      tpu.enqueue_indirect_dma source(%dma_start3A_44 : memref<10240x128xf32, #tpu.memory_space<hbm>>) target(%arg8 : memref<128x128xf32, #tpu.memory_space<vmem>>) offsets(%arg6 : memref<128xi32, #tpu.memory_space<vmem>>) semaphore(%arg10 : memref<!tpu.dma_semaphore, #tpu.memory_space<semaphore_mem>>)
      %dma_wait3A = arith.constant 0 : i32
      %dma_wait3A_45 = arith.constant 0 : i32
      %dma_wait3A_46 = tpu.memref_slice %arg2[%dma_wait3A, %dma_wait3A_45] : memref<10240x128xf32, #tpu.memory_space<hbm>> -> memref<10240x128xf32, #tpu.memory_space<hbm>>
      tpu.wait_indirect_dma semaphore(%arg10 : memref<!tpu.dma_semaphore, #tpu.memory_space<semaphore_mem>>) src(%dma_wait3A_46 : memref<10240x128xf32, #tpu.memory_space<hbm>>) dst(%arg8 : memref<128x128xf32, #tpu.memory_space<vmem>>)
      "tpu.region"() ({
        %run_scoped3A = tpu.sem_alloc : memref<!tpu.dma_semaphore, #tpu.memory_space<semaphore_mem>>
        %dma_start3A_47 = arith.constant 0 : i32
        %dma_start3A_48 = arith.constant 0 : i32
        %dma_start3A_49 = tpu.memref_slice %arg9[%dma_start3A_47, %dma_start3A_48] : memref<10240x128xf32, #tpu.memory_space<vmem_shared>> -> memref<10240x128xf32, #tpu.memory_space<vmem_shared>>
        tpu.enqueue_indirect_dma source(%arg8 : memref<128x128xf32, #tpu.memory_space<vmem>>) target(%dma_start3A_49 : memref<10240x128xf32, #tpu.memory_space<vmem_shared>>) offsets(%arg7 : memref<128xi32, #tpu.memory_space<vmem>>) semaphore(%run_scoped3A : memref<!tpu.dma_semaphore, #tpu.memory_space<semaphore_mem>>) {add = true}
        %dma_wait3A_50 = arith.constant 0 : i32
        %dma_wait3A_51 = arith.constant 0 : i32
        %dma_wait3A_52 = tpu.memref_slice %arg9[%dma_wait3A_50, %dma_wait3A_51] : memref<10240x128xf32, #tpu.memory_space<vmem_shared>> -> memref<10240x128xf32, #tpu.memory_space<vmem_shared>>
        tpu.wait_indirect_dma semaphore(%run_scoped3A : memref<!tpu.dma_semaphore, #tpu.memory_space<semaphore_mem>>) src(%arg8 : memref<128x128xf32, #tpu.memory_space<vmem>>) dst(%dma_wait3A_52 : memref<10240x128xf32, #tpu.memory_space<vmem_shared>>)
        tpu.yield
      }) : () -> ()
    }
    %scan3A_33 = arith.constant 79 : i32
    %barrier3A_34 = arith.constant 0 : index
    tpu.barrier barrier_id(%barrier3A_34)
    %mul3A_35 = arith.constant 640 : i32
    %mul3A_36 = arith.muli %arg1, %mul3A_35 : i32
    %mul3A_37 = arith.constant 640 : i32
    %mul3A_38 = arith.muli %arg1, %mul3A_37 : i32
    "tpu.region"() ({
      %run_scoped3A = tpu.sem_alloc : memref<!tpu.dma_semaphore, #tpu.memory_space<semaphore_mem>>
      %dma_start3A = arith.constant 0 : i32
      %dma_start3A_39 = tpu.memref_slice %arg5[%arg0, %mul3A_38, %dma_start3A] : memref<2x10240x128xf32, #tpu.memory_space<hbm>> -> memref<1x640x128xf32, #tpu.memory_space<hbm>>
      %dma_start3A_40 = tpu.memref_squeeze %dma_start3A_39 : memref<1x640x128xf32, #tpu.memory_space<hbm>> -> memref<640x128xf32, #tpu.memory_space<hbm>>
      %dma_start3A_41 = arith.constant 0 : i32
      %dma_start3A_42 = tpu.memref_slice %arg9[%mul3A_36, %dma_start3A_41] : memref<10240x128xf32, #tpu.memory_space<vmem_shared>> -> memref<640x128xf32, #tpu.memory_space<vmem_shared>>
      tpu.enqueue_dma source(%dma_start3A_42 : memref<640x128xf32, #tpu.memory_space<vmem_shared>>) target(%dma_start3A_40 : memref<640x128xf32, #tpu.memory_space<hbm>>) target_semaphore(%run_scoped3A : memref<!tpu.dma_semaphore, #tpu.memory_space<semaphore_mem>>)
      %dma_wait3A = arith.constant 0 : i32
      %dma_wait3A_43 = tpu.memref_slice %arg5[%arg0, %mul3A_38, %dma_wait3A] : memref<2x10240x128xf32, #tpu.memory_space<hbm>> -> memref<1x640x128xf32, #tpu.memory_space<hbm>>
      %dma_wait3A_44 = tpu.memref_squeeze %dma_wait3A_43 : memref<1x640x128xf32, #tpu.memory_space<hbm>> -> memref<640x128xf32, #tpu.memory_space<hbm>>
      %dma_wait3A_45 = arith.constant 0 : i32
      %dma_wait3A_46 = tpu.memref_slice %arg9[%mul3A_36, %dma_wait3A_45] : memref<10240x128xf32, #tpu.memory_space<vmem_shared>> -> memref<640x128xf32, #tpu.memory_space<vmem_shared>>
      tpu.wait_dma2 semaphore(%run_scoped3A : memref<!tpu.dma_semaphore, #tpu.memory_space<semaphore_mem>>) src(%dma_wait3A_46 : memref<640x128xf32, #tpu.memory_space<vmem_shared>>) dst(%dma_wait3A_44 : memref<640x128xf32, #tpu.memory_space<hbm>>)
      tpu.yield
    }) : () -> ()
    return
  }
}

module attributes {stable_mosaic.version = 14 : i64} {
  func.func @_b1_body(%arg0: i32, %arg1: memref<2048x128xf32, #tpu.memory_space<vmem>>, %arg2: memref<2x2048xf32, #tpu.memory_space<vmem>>, %arg3: memref<128x128xf32, #tpu.memory_space<vmem>>, %arg4: memref<2048x128xf32, #tpu.memory_space<vmem>>) attributes {dimension_semantics = [#tpu.dimension_semantics<arbitrary>], iteration_bounds = array<i64: 5>, scalar_prefetch = 0 : i64, scratch_operands = 0 : i64, tpu.core_type = #tpu.core_type<tc>, window_params = [{transform_indices = @transform_0, window_bounds = array<i64: 2048, 128>}, {transform_indices = @transform_1, window_bounds = array<i64: 2, 2048>}, {pipeline_mode = #tpu.pipeline_mode<synchronous>, transform_indices = @transform_2, window_bounds = array<i64: 128, 128>}, {transform_indices = @transform_3, window_bounds = array<i64: 2048, 128>}]} {
    %get3A = arith.constant 0 : index
    %get3A_0 = arith.constant 0 : index
    %get3A_1 = vector.load %arg2[%get3A, %get3A_0] : memref<2x2048xf32, #tpu.memory_space<vmem>>, vector<1x2048xf32>
    %get3A_2 = vector.shape_cast %get3A_1 : vector<1x2048xf32> to vector<2048xf32>
    %get3A_3 = arith.constant 1 : index
    %get3A_4 = arith.constant 0 : index
    %get3A_5 = vector.load %arg2[%get3A_3, %get3A_4] : memref<2x2048xf32, #tpu.memory_space<vmem>>, vector<1x2048xf32>
    %get3A_6 = vector.shape_cast %get3A_5 : vector<1x2048xf32> to vector<2048xf32>
    %add3A = arith.addf %get3A_2, %get3A_6 : vector<2048xf32>
    %add3A_7 = arith.constant 1.000000e+00 : f32
    %add3A_8 = vector.broadcast %add3A_7 : f32 to vector<2048xf32>
    %add3A_9 = arith.addf %add3A, %add3A_8 : vector<2048xf32>
    %rsqrt3A = math.rsqrt %add3A_9 : vector<2048xf32>
    %get3A_10 = arith.constant 0 : index
    %get3A_11 = arith.constant 0 : index
    %get3A_12 = vector.load %arg1[%get3A_10, %get3A_11] : memref<2048x128xf32, #tpu.memory_space<vmem>>, vector<2048x128xf32>
    %get3A_13 = arith.constant 0 : index
    %get3A_14 = arith.constant 0 : index
    %get3A_15 = vector.load %arg3[%get3A_13, %get3A_14] : memref<128x128xf32, #tpu.memory_space<vmem>>, vector<128x128xf32>
    %dot_general3A = arith.constant dense<0.000000e+00> : vector<2048x128xf32>
    %dot_general3A_16 = tpu.matmul %get3A_12, %get3A_15, %dot_general3A {dimension_numbers = #tpu.dot_dimension_numbers<[1], [0], [0], [1], [0, 0, 1, 1], [], []>, transpose_lhs_hint = false} : vector<2048x128xf32>, vector<128x128xf32>, vector<2048x128xf32> -> vector<2048x128xf32>
    %iota3A = tpu.iota {dimensions = array<i32: 0>} : vector<2048x1xi32>
    %mul3A = arith.constant 2048 : i32
    %mul3A_17 = arith.muli %arg0, %mul3A : i32
    %add3A_18 = vector.broadcast %mul3A_17 : i32 to vector<2048x1xi32>
    %add3A_19 = arith.addi %iota3A, %add3A_18 : vector<2048x1xi32>
    %lt3A = arith.constant 10000 : i32
    %lt3A_20 = vector.broadcast %lt3A : i32 to vector<2048x1xi32>
    %lt3A_21 = arith.cmpi slt, %add3A_19, %lt3A_20 : vector<2048x1xi32>
    %broadcast_in_dim3A = vector.shape_cast %rsqrt3A : vector<2048xf32> to vector<2048x1xf32>
    %mul3A_22 = vector.broadcast %broadcast_in_dim3A : vector<2048x1xf32> to vector<2048x128xf32>
    %mul3A_23 = arith.mulf %mul3A_22, %dot_general3A_16 : vector<2048x128xf32>
    %jit3A = arith.constant 0.000000e+00 : f32
    %broadcast_in_dim3A_24 = vector.shape_cast %lt3A_21 : vector<2048x1xi1> to vector<2048x1xi1>
    %broadcast_in_dim3A_25 = vector.broadcast %broadcast_in_dim3A_24 : vector<2048x1xi1> to vector<2048x128xi1>
    %broadcast_in_dim3A_26 = vector.broadcast %jit3A : f32 to vector<2048x128xf32>
    %select_n3A = arith.select %broadcast_in_dim3A_25, %mul3A_23, %broadcast_in_dim3A_26 : vector<2048x128xi1>, vector<2048x128xf32>
    %swap3A = arith.constant 0 : index
    %swap3A_27 = arith.constant 0 : index
    %swap3A_28 = vector.load %arg4[%swap3A, %swap3A_27] : memref<2048x128xf32, #tpu.memory_space<vmem>>, vector<2048x128xf32>
    tpu.vector_store %arg4[%swap3A, %swap3A_27], %select_n3A {strides = array<i32>} : memref<2048x128xf32, #tpu.memory_space<vmem>>, vector<2048x128xf32>,
    return
  }
  func.func @transform_0(%arg0: i32) -> (i32, i32) {
    %c0_i32 = arith.constant 0 : i32
    %c0_i32_0 = arith.constant 0 : i32
    return %arg0, %c0_i32 : i32, i32
  }
  func.func @transform_1(%arg0: i32) -> (i32, i32) {
    %c0_i32 = arith.constant 0 : i32
    %c0_i32_0 = arith.constant 0 : i32
    return %c0_i32, %arg0 : i32, i32
  }
  func.func @transform_2(%arg0: i32) -> (i32, i32) {
    %c0_i32 = arith.constant 0 : i32
    %c0_i32_0 = arith.constant 0 : i32
    %c0_i32_1 = arith.constant 0 : i32
    return %c0_i32, %c0_i32_0 : i32, i32
  }
  func.func @transform_3(%arg0: i32) -> (i32, i32) {
    %c0_i32 = arith.constant 0 : i32
    %c0_i32_0 = arith.constant 0 : i32
    return %arg0, %c0_i32 : i32, i32
  }
}

module attributes {stable_mosaic.version = 14 : i64} {
  func.func @_b2_body(%arg0: i32, %arg1: memref<2x2048x128xf32, #tpu.memory_space<vmem>>, %arg2: memref<2048x128xf32, #tpu.memory_space<vmem>>, %arg3: memref<2x2048xf32, #tpu.memory_space<vmem>>, %arg4: memref<1x128xf32, #tpu.memory_space<vmem>>, %arg5: memref<128x128xf32, #tpu.memory_space<vmem>>, %arg6: memref<2048x128xf32, #tpu.memory_space<vmem>>, %arg7: memref<1x128xf32, #tpu.memory_space<vmem>>) attributes {dimension_semantics = [#tpu.dimension_semantics<arbitrary>], iteration_bounds = array<i64: 5>, scalar_prefetch = 0 : i64, scratch_operands = 0 : i64, tpu.core_type = #tpu.core_type<tc>, window_params = [{transform_indices = @transform_0, window_bounds = array<i64: 2, 2048, 128>}, {transform_indices = @transform_1, window_bounds = array<i64: 2048, 128>}, {transform_indices = @transform_2, window_bounds = array<i64: 2, 2048>}, {pipeline_mode = #tpu.pipeline_mode<synchronous>, transform_indices = @transform_3, window_bounds = array<i64: 1, 128>}, {pipeline_mode = #tpu.pipeline_mode<synchronous>, transform_indices = @transform_4, window_bounds = array<i64: 128, 128>}, {transform_indices = @transform_5, window_bounds = array<i64: 2048, 128>}, {pipeline_mode = #tpu.pipeline_mode<synchronous>, transform_indices = @transform_6, window_bounds = array<i64: 1, 128>}]} {
    %get3A = arith.constant 0 : index
    %get3A_0 = arith.constant 0 : index
    %get3A_1 = vector.load %arg3[%get3A, %get3A_0] : memref<2x2048xf32, #tpu.memory_space<vmem>>, vector<1x2048xf32>
    %get3A_2 = vector.shape_cast %get3A_1 : vector<1x2048xf32> to vector<2048xf32>
    %get3A_3 = arith.constant 1 : index
    %get3A_4 = arith.constant 0 : index
    %get3A_5 = vector.load %arg3[%get3A_3, %get3A_4] : memref<2x2048xf32, #tpu.memory_space<vmem>>, vector<1x2048xf32>
    %get3A_6 = vector.shape_cast %get3A_5 : vector<1x2048xf32> to vector<2048xf32>
    %add3A = arith.addf %get3A_2, %get3A_6 : vector<2048xf32>
    %add3A_7 = arith.constant 1.000000e+00 : f32
    %add3A_8 = vector.broadcast %add3A_7 : f32 to vector<2048xf32>
    %add3A_9 = arith.addf %add3A, %add3A_8 : vector<2048xf32>
    %rsqrt3A = math.rsqrt %add3A_9 : vector<2048xf32>
    %get3A_10 = arith.constant 0 : index
    %get3A_11 = arith.constant 0 : index
    %get3A_12 = arith.constant 0 : index
    %get3A_13 = vector.load %arg1[%get3A_10, %get3A_11, %get3A_12] : memref<2x2048x128xf32, #tpu.memory_space<vmem>>, vector<1x2048x128xf32>
    %get3A_14 = vector.shape_cast %get3A_13 : vector<1x2048x128xf32> to vector<2048x128xf32>
    %get3A_15 = arith.constant 1 : index
    %get3A_16 = arith.constant 0 : index
    %get3A_17 = arith.constant 0 : index
    %get3A_18 = vector.load %arg1[%get3A_15, %get3A_16, %get3A_17] : memref<2x2048x128xf32, #tpu.memory_space<vmem>>, vector<1x2048x128xf32>
    %get3A_19 = vector.shape_cast %get3A_18 : vector<1x2048x128xf32> to vector<2048x128xf32>
    %add3A_20 = arith.addf %get3A_14, %get3A_19 : vector<2048x128xf32>
    %get3A_21 = arith.constant 0 : index
    %get3A_22 = arith.constant 0 : index
    %get3A_23 = vector.load %arg2[%get3A_21, %get3A_22] : memref<2048x128xf32, #tpu.memory_space<vmem>>, vector<2048x128xf32>
    %add3A_24 = arith.addf %add3A_20, %get3A_23 : vector<2048x128xf32>
    %broadcast_in_dim3A = vector.shape_cast %rsqrt3A : vector<2048xf32> to vector<2048x1xf32>
    %mul3A = vector.broadcast %broadcast_in_dim3A : vector<2048x1xf32> to vector<2048x128xf32>
    %mul3A_25 = arith.mulf %mul3A, %add3A_24 : vector<2048x128xf32>
    %get3A_26 = arith.constant 0 : index
    %get3A_27 = arith.constant 0 : index
    %get3A_28 = vector.load %arg4[%get3A_26, %get3A_27] : memref<1x128xf32, #tpu.memory_space<vmem>>, vector<1x128xf32>
    %add3A_29 = vector.broadcast %get3A_28 : vector<1x128xf32> to vector<2048x128xf32>
    %add3A_30 = arith.addf %mul3A_25, %add3A_29 : vector<2048x128xf32>
    %max3A = arith.constant 0.000000e+00 : f32
    %max3A_31 = vector.broadcast %max3A : f32 to vector<2048x128xf32>
    %max3A_32 = arith.maximumf %add3A_30, %max3A_31 : vector<2048x128xf32>
    %iota3A = tpu.iota {dimensions = array<i32: 0>} : vector<2048x1xi32>
    %mul3A_33 = arith.constant 2048 : i32
    %mul3A_34 = arith.muli %arg0, %mul3A_33 : i32
    %add3A_35 = vector.broadcast %mul3A_34 : i32 to vector<2048x1xi32>
    %add3A_36 = arith.addi %iota3A, %add3A_35 : vector<2048x1xi32>
    %lt3A = arith.constant 10000 : i32
    %lt3A_37 = vector.broadcast %lt3A : i32 to vector<2048x1xi32>
    %lt3A_38 = arith.cmpi slt, %add3A_36, %lt3A_37 : vector<2048x1xi32>
    %jit3A = arith.constant 0.000000e+00 : f32
    %broadcast_in_dim3A_39 = vector.shape_cast %lt3A_38 : vector<2048x1xi1> to vector<2048x1xi1>
    %broadcast_in_dim3A_40 = vector.broadcast %broadcast_in_dim3A_39 : vector<2048x1xi1> to vector<2048x128xi1>
    %broadcast_in_dim3A_41 = vector.broadcast %jit3A : f32 to vector<2048x128xf32>
    %select_n3A = arith.select %broadcast_in_dim3A_40, %max3A_32, %broadcast_in_dim3A_41 : vector<2048x128xi1>, vector<2048x128xf32>
    %eq3A = arith.constant 0 : i32
    %eq3A_42 = arith.cmpi eq, %arg0, %eq3A : i32
    %convert_element_type3A = arith.extui %eq3A_42 : i1 to i32
    %cond3A = arith.constant 0 : i32
    %cond3A_43 = arith.cmpi ne, %convert_element_type3A, %cond3A : i32
    scf.if %cond3A_43 {
      %broadcast_in_dim3A_62 = arith.constant 0.000000e+00 : f32
      %broadcast_in_dim3A_63 = vector.broadcast %broadcast_in_dim3A_62 : f32 to vector<1x128xf32>
      %swap3A_64 = arith.constant 0 : index
      %swap3A_65 = arith.constant 0 : index
      %swap3A_66 = vector.load %arg7[%swap3A_64, %swap3A_65] : memref<1x128xf32, #tpu.memory_space<vmem>>, vector<1x128xf32>
      tpu.vector_store %arg7[%swap3A_64, %swap3A_65], %broadcast_in_dim3A_63 {strides = array<i32>} : memref<1x128xf32, #tpu.memory_space<vmem>>, vector<1x128xf32>,
    } else {
    }
    %get3A_44 = arith.constant 0 : index
    %get3A_45 = arith.constant 0 : index
    %get3A_46 = vector.load %arg7[%get3A_44, %get3A_45] : memref<1x128xf32, #tpu.memory_space<vmem>>, vector<1x128xf32>
    %reduce_sum3A = arith.constant dense<0.000000e+00> : vector<128xf32>
    %reduce_sum3A_47 = vector.multi_reduction <add>, %select_n3A, %reduce_sum3A [0] : vector<2048x128xf32> to vector<128xf32>
    %broadcast_in_dim3A_48 = vector.shape_cast %reduce_sum3A_47 : vector<128xf32> to vector<1x128xf32>
    %add3A_49 = arith.addf %get3A_46, %broadcast_in_dim3A_48 : vector<1x128xf32>
    %swap3A = arith.constant 0 : index
    %swap3A_50 = arith.constant 0 : index
    %swap3A_51 = vector.load %arg7[%swap3A, %swap3A_50] : memref<1x128xf32, #tpu.memory_space<vmem>>, vector<1x128xf32>
    tpu.vector_store %arg7[%swap3A, %swap3A_50], %add3A_49 {strides = array<i32>} : memref<1x128xf32, #tpu.memory_space<vmem>>, vector<1x128xf32>,
    %get3A_52 = arith.constant 0 : index
    %get3A_53 = arith.constant 0 : index
    %get3A_54 = vector.load %arg5[%get3A_52, %get3A_53] : memref<128x128xf32, #tpu.memory_space<vmem>>, vector<128x128xf32>
    %dot_general3A = arith.constant dense<0.000000e+00> : vector<2048x128xf32>
    %dot_general3A_55 = tpu.matmul %select_n3A, %get3A_54, %dot_general3A {dimension_numbers = #tpu.dot_dimension_numbers<[1], [0], [0], [1], [0, 0, 1, 1], [], []>, transpose_lhs_hint = false} : vector<2048x128xf32>, vector<128x128xf32>, vector<2048x128xf32> -> vector<2048x128xf32>
    %broadcast_in_dim3A_56 = vector.shape_cast %rsqrt3A : vector<2048xf32> to vector<2048x1xf32>
    %mul3A_57 = vector.broadcast %broadcast_in_dim3A_56 : vector<2048x1xf32> to vector<2048x128xf32>
    %mul3A_58 = arith.mulf %mul3A_57, %dot_general3A_55 : vector<2048x128xf32>
    %swap3A_59 = arith.constant 0 : index
    %swap3A_60 = arith.constant 0 : index
    %swap3A_61 = vector.load %arg6[%swap3A_59, %swap3A_60] : memref<2048x128xf32, #tpu.memory_space<vmem>>, vector<2048x128xf32>
    tpu.vector_store %arg6[%swap3A_59, %swap3A_60], %mul3A_58 {strides = array<i32>} : memref<2048x128xf32, #tpu.memory_space<vmem>>, vector<2048x128xf32>,
    return
  }
  func.func @transform_0(%arg0: i32) -> (i32, i32, i32) {
    %c0_i32 = arith.constant 0 : i32
    %c0_i32_0 = arith.constant 0 : i32
    %c0_i32_1 = arith.constant 0 : i32
    return %c0_i32, %arg0, %c0_i32_0 : i32, i32, i32
  }
  func.func @transform_1(%arg0: i32) -> (i32, i32) {
    %c0_i32 = arith.constant 0 : i32
    %c0_i32_0 = arith.constant 0 : i32
    return %arg0, %c0_i32 : i32, i32
  }
  func.func @transform_2(%arg0: i32) -> (i32, i32) {
    %c0_i32 = arith.constant 0 : i32
    %c0_i32_0 = arith.constant 0 : i32
    return %c0_i32, %arg0 : i32, i32
  }
  func.func @transform_3(%arg0: i32) -> (i32, i32) {
    %c0_i32 = arith.constant 0 : i32
    %c0_i32_0 = arith.constant 0 : i32
    %c0_i32_1 = arith.constant 0 : i32
    return %c0_i32, %c0_i32_0 : i32, i32
  }
  func.func @transform_4(%arg0: i32) -> (i32, i32) {
    %c0_i32 = arith.constant 0 : i32
    %c0_i32_0 = arith.constant 0 : i32
    %c0_i32_1 = arith.constant 0 : i32
    return %c0_i32, %c0_i32_0 : i32, i32
  }
  func.func @transform_5(%arg0: i32) -> (i32, i32) {
    %c0_i32 = arith.constant 0 : i32
    %c0_i32_0 = arith.constant 0 : i32
    return %arg0, %c0_i32 : i32, i32
  }
  func.func @transform_6(%arg0: i32) -> (i32, i32) {
    %c0_i32 = arith.constant 0 : i32
    %c0_i32_0 = arith.constant 0 : i32
    %c0_i32_1 = arith.constant 0 : i32
    return %c0_i32, %c0_i32_0 : i32, i32
  }
}

module attributes {stable_mosaic.version = 14 : i64} {
  func.func @_b3_body(%arg0: i32, %arg1: memref<2x2048x128xf32, #tpu.memory_space<vmem>>, %arg2: memref<2048x128xf32, #tpu.memory_space<vmem>>, %arg3: memref<2x2048xf32, #tpu.memory_space<vmem>>, %arg4: memref<1x128xf32, #tpu.memory_space<vmem>>, %arg5: memref<1x128xf32, #tpu.memory_space<vmem>>) attributes {dimension_semantics = [#tpu.dimension_semantics<arbitrary>], iteration_bounds = array<i64: 5>, scalar_prefetch = 0 : i64, scratch_operands = 0 : i64, tpu.core_type = #tpu.core_type<tc>, window_params = [{transform_indices = @transform_0, window_bounds = array<i64: 2, 2048, 128>}, {transform_indices = @transform_1, window_bounds = array<i64: 2048, 128>}, {transform_indices = @transform_2, window_bounds = array<i64: 2, 2048>}, {pipeline_mode = #tpu.pipeline_mode<synchronous>, transform_indices = @transform_3, window_bounds = array<i64: 1, 128>}, {pipeline_mode = #tpu.pipeline_mode<synchronous>, transform_indices = @transform_4, window_bounds = array<i64: 1, 128>}]} {
    %get3A = arith.constant 0 : index
    %get3A_0 = arith.constant 0 : index
    %get3A_1 = vector.load %arg3[%get3A, %get3A_0] : memref<2x2048xf32, #tpu.memory_space<vmem>>, vector<1x2048xf32>
    %get3A_2 = vector.shape_cast %get3A_1 : vector<1x2048xf32> to vector<2048xf32>
    %get3A_3 = arith.constant 1 : index
    %get3A_4 = arith.constant 0 : index
    %get3A_5 = vector.load %arg3[%get3A_3, %get3A_4] : memref<2x2048xf32, #tpu.memory_space<vmem>>, vector<1x2048xf32>
    %get3A_6 = vector.shape_cast %get3A_5 : vector<1x2048xf32> to vector<2048xf32>
    %add3A = arith.addf %get3A_2, %get3A_6 : vector<2048xf32>
    %add3A_7 = arith.constant 1.000000e+00 : f32
    %add3A_8 = vector.broadcast %add3A_7 : f32 to vector<2048xf32>
    %add3A_9 = arith.addf %add3A, %add3A_8 : vector<2048xf32>
    %rsqrt3A = math.rsqrt %add3A_9 : vector<2048xf32>
    %get3A_10 = arith.constant 0 : index
    %get3A_11 = arith.constant 0 : index
    %get3A_12 = arith.constant 0 : index
    %get3A_13 = vector.load %arg1[%get3A_10, %get3A_11, %get3A_12] : memref<2x2048x128xf32, #tpu.memory_space<vmem>>, vector<1x2048x128xf32>
    %get3A_14 = vector.shape_cast %get3A_13 : vector<1x2048x128xf32> to vector<2048x128xf32>
    %get3A_15 = arith.constant 1 : index
    %get3A_16 = arith.constant 0 : index
    %get3A_17 = arith.constant 0 : index
    %get3A_18 = vector.load %arg1[%get3A_15, %get3A_16, %get3A_17] : memref<2x2048x128xf32, #tpu.memory_space<vmem>>, vector<1x2048x128xf32>
    %get3A_19 = vector.shape_cast %get3A_18 : vector<1x2048x128xf32> to vector<2048x128xf32>
    %add3A_20 = arith.addf %get3A_14, %get3A_19 : vector<2048x128xf32>
    %get3A_21 = arith.constant 0 : index
    %get3A_22 = arith.constant 0 : index
    %get3A_23 = vector.load %arg2[%get3A_21, %get3A_22] : memref<2048x128xf32, #tpu.memory_space<vmem>>, vector<2048x128xf32>
    %add3A_24 = arith.addf %add3A_20, %get3A_23 : vector<2048x128xf32>
    %broadcast_in_dim3A = vector.shape_cast %rsqrt3A : vector<2048xf32> to vector<2048x1xf32>
    %mul3A = vector.broadcast %broadcast_in_dim3A : vector<2048x1xf32> to vector<2048x128xf32>
    %mul3A_25 = arith.mulf %mul3A, %add3A_24 : vector<2048x128xf32>
    %get3A_26 = arith.constant 0 : index
    %get3A_27 = arith.constant 0 : index
    %get3A_28 = vector.load %arg4[%get3A_26, %get3A_27] : memref<1x128xf32, #tpu.memory_space<vmem>>, vector<1x128xf32>
    %add3A_29 = vector.broadcast %get3A_28 : vector<1x128xf32> to vector<2048x128xf32>
    %add3A_30 = arith.addf %mul3A_25, %add3A_29 : vector<2048x128xf32>
    %max3A = arith.constant 0.000000e+00 : f32
    %max3A_31 = vector.broadcast %max3A : f32 to vector<2048x128xf32>
    %max3A_32 = arith.maximumf %add3A_30, %max3A_31 : vector<2048x128xf32>
    %iota3A = tpu.iota {dimensions = array<i32: 0>} : vector<2048x1xi32>
    %mul3A_33 = arith.constant 2048 : i32
    %mul3A_34 = arith.muli %arg0, %mul3A_33 : i32
    %add3A_35 = vector.broadcast %mul3A_34 : i32 to vector<2048x1xi32>
    %add3A_36 = arith.addi %iota3A, %add3A_35 : vector<2048x1xi32>
    %lt3A = arith.constant 10000 : i32
    %lt3A_37 = vector.broadcast %lt3A : i32 to vector<2048x1xi32>
    %lt3A_38 = arith.cmpi slt, %add3A_36, %lt3A_37 : vector<2048x1xi32>
    %jit3A = arith.constant 0.000000e+00 : f32
    %broadcast_in_dim3A_39 = vector.shape_cast %lt3A_38 : vector<2048x1xi1> to vector<2048x1xi1>
    %broadcast_in_dim3A_40 = vector.broadcast %broadcast_in_dim3A_39 : vector<2048x1xi1> to vector<2048x128xi1>
    %broadcast_in_dim3A_41 = vector.broadcast %jit3A : f32 to vector<2048x128xf32>
    %select_n3A = arith.select %broadcast_in_dim3A_40, %max3A_32, %broadcast_in_dim3A_41 : vector<2048x128xi1>, vector<2048x128xf32>
    %eq3A = arith.constant 0 : i32
    %eq3A_42 = arith.cmpi eq, %arg0, %eq3A : i32
    %convert_element_type3A = arith.extui %eq3A_42 : i1 to i32
    %cond3A = arith.constant 0 : i32
    %cond3A_43 = arith.cmpi ne, %convert_element_type3A, %cond3A : i32
    scf.if %cond3A_43 {
      %broadcast_in_dim3A_52 = arith.constant 0.000000e+00 : f32
      %broadcast_in_dim3A_53 = vector.broadcast %broadcast_in_dim3A_52 : f32 to vector<1x128xf32>
      %swap3A_54 = arith.constant 0 : index
      %swap3A_55 = arith.constant 0 : index
      %swap3A_56 = vector.load %arg5[%swap3A_54, %swap3A_55] : memref<1x128xf32, #tpu.memory_space<vmem>>, vector<1x128xf32>
      tpu.vector_store %arg5[%swap3A_54, %swap3A_55], %broadcast_in_dim3A_53 {strides = array<i32>} : memref<1x128xf32, #tpu.memory_space<vmem>>, vector<1x128xf32>,
    } else {
    }
    %get3A_44 = arith.constant 0 : index
    %get3A_45 = arith.constant 0 : index
    %get3A_46 = vector.load %arg5[%get3A_44, %get3A_45] : memref<1x128xf32, #tpu.memory_space<vmem>>, vector<1x128xf32>
    %reduce_sum3A = arith.constant dense<0.000000e+00> : vector<128xf32>
    %reduce_sum3A_47 = vector.multi_reduction <add>, %select_n3A, %reduce_sum3A [0] : vector<2048x128xf32> to vector<128xf32>
    %broadcast_in_dim3A_48 = vector.shape_cast %reduce_sum3A_47 : vector<128xf32> to vector<1x128xf32>
    %add3A_49 = arith.addf %get3A_46, %broadcast_in_dim3A_48 : vector<1x128xf32>
    %swap3A = arith.constant 0 : index
    %swap3A_50 = arith.constant 0 : index
    %swap3A_51 = vector.load %arg5[%swap3A, %swap3A_50] : memref<1x128xf32, #tpu.memory_space<vmem>>, vector<1x128xf32>
    tpu.vector_store %arg5[%swap3A, %swap3A_50], %add3A_49 {strides = array<i32>} : memref<1x128xf32, #tpu.memory_space<vmem>>, vector<1x128xf32>,
    return
  }
  func.func @transform_0(%arg0: i32) -> (i32, i32, i32) {
    %c0_i32 = arith.constant 0 : i32
    %c0_i32_0 = arith.constant 0 : i32
    %c0_i32_1 = arith.constant 0 : i32
    return %c0_i32, %arg0, %c0_i32_0 : i32, i32, i32
  }
  func.func @transform_1(%arg0: i32) -> (i32, i32) {
    %c0_i32 = arith.constant 0 : i32
    %c0_i32_0 = arith.constant 0 : i32
    return %arg0, %c0_i32 : i32, i32
  }
  func.func @transform_2(%arg0: i32) -> (i32, i32) {
    %c0_i32 = arith.constant 0 : i32
    %c0_i32_0 = arith.constant 0 : i32
    return %c0_i32, %arg0 : i32, i32
  }
  func.func @transform_3(%arg0: i32) -> (i32, i32) {
    %c0_i32 = arith.constant 0 : i32
    %c0_i32_0 = arith.constant 0 : i32
    %c0_i32_1 = arith.constant 0 : i32
    return %c0_i32, %c0_i32_0 : i32, i32
  }
  func.func @transform_4(%arg0: i32) -> (i32, i32) {
    %c0_i32 = arith.constant 0 : i32
    %c0_i32_0 = arith.constant 0 : i32
    %c0_i32_1 = arith.constant 0 : i32
    return %c0_i32, %c0_i32_0 : i32, i32
  }
}

module attributes {stable_mosaic.version = 14 : i64} {
  func.func @_b4_body(%arg0: memref<1x128xf32, #tpu.memory_space<vmem>>, %arg1: memref<1x128xf32, #tpu.memory_space<vmem>>, %arg2: memref<256x128xf32, #tpu.memory_space<vmem>>, %arg3: memref<1x128xf32, #tpu.memory_space<vmem>>, %arg4: memref<128x40xf32, #tpu.memory_space<vmem>>, %arg5: memref<1x40xf32, #tpu.memory_space<vmem>>, %arg6: memref<1x40xf32, #tpu.memory_space<vmem>>) attributes {dimension_semantics = [], scalar_prefetch = 0 : i64, scratch_operands = 0 : i64, tpu.core_type = #tpu.core_type<tc>} {
    %get3A = arith.constant 0 : index
    %get3A_0 = arith.constant 0 : index
    %get3A_1 = vector.load %arg0[%get3A, %get3A_0] : memref<1x128xf32, #tpu.memory_space<vmem>>, vector<1x128xf32>
    %mul3A = arith.constant 9.99999974E-5 : f32
    %mul3A_2 = vector.broadcast %mul3A : f32 to vector<1x128xf32>
    %mul3A_3 = arith.mulf %get3A_1, %mul3A_2 : vector<1x128xf32>
    %get3A_4 = arith.constant 0 : index
    %get3A_5 = arith.constant 0 : index
    %get3A_6 = vector.load %arg1[%get3A_4, %get3A_5] : memref<1x128xf32, #tpu.memory_space<vmem>>, vector<1x128xf32>
    %mul3A_7 = arith.constant 9.99999974E-5 : f32
    %mul3A_8 = vector.broadcast %mul3A_7 : f32 to vector<1x128xf32>
    %mul3A_9 = arith.mulf %get3A_6, %mul3A_8 : vector<1x128xf32>
    %get3A_10 = arith.constant 0 : index
    %get3A_11 = arith.constant 0 : index
    %get3A_12 = vector.load %arg2[%get3A_10, %get3A_11] : memref<256x128xf32, #tpu.memory_space<vmem>>, vector<128x128xf32>
    %dot_general3A = arith.constant dense<0.000000e+00> : vector<1x128xf32>
    %dot_general3A_13 = tpu.matmul %mul3A_3, %get3A_12, %dot_general3A {dimension_numbers = #tpu.dot_dimension_numbers<[1], [0], [0], [1], [0, 0, 1, 1], [], []>, transpose_lhs_hint = false} : vector<1x128xf32>, vector<128x128xf32>, vector<1x128xf32> -> vector<1x128xf32>
    %get3A_14 = arith.constant 128 : index
    %get3A_15 = arith.constant 0 : index
    %get3A_16 = vector.load %arg2[%get3A_14, %get3A_15] : memref<256x128xf32, #tpu.memory_space<vmem>>, vector<128x128xf32>
    %dot_general3A_17 = arith.constant dense<0.000000e+00> : vector<1x128xf32>
    %dot_general3A_18 = tpu.matmul %mul3A_9, %get3A_16, %dot_general3A_17 {dimension_numbers = #tpu.dot_dimension_numbers<[1], [0], [0], [1], [0, 0, 1, 1], [], []>, transpose_lhs_hint = false} : vector<1x128xf32>, vector<128x128xf32>, vector<1x128xf32> -> vector<1x128xf32>
    %add3A = arith.addf %dot_general3A_13, %dot_general3A_18 : vector<1x128xf32>
    %get3A_19 = arith.constant 0 : index
    %get3A_20 = arith.constant 0 : index
    %get3A_21 = vector.load %arg3[%get3A_19, %get3A_20] : memref<1x128xf32, #tpu.memory_space<vmem>>, vector<1x128xf32>
    %add3A_22 = arith.addf %add3A, %get3A_21 : vector<1x128xf32>
    %get3A_23 = arith.constant 0 : index
    %get3A_24 = arith.constant 0 : index
    %get3A_25 = vector.load %arg4[%get3A_23, %get3A_24] : memref<128x40xf32, #tpu.memory_space<vmem>>, vector<128x40xf32>
    %dot_general3A_26 = arith.constant dense<0.000000e+00> : vector<1x40xf32>
    %dot_general3A_27 = tpu.matmul %add3A_22, %get3A_25, %dot_general3A_26 {dimension_numbers = #tpu.dot_dimension_numbers<[1], [0], [0], [1], [0, 0, 1, 1], [], []>, transpose_lhs_hint = false} : vector<1x128xf32>, vector<128x40xf32>, vector<1x40xf32> -> vector<1x40xf32>
    %get3A_28 = arith.constant 0 : index
    %get3A_29 = arith.constant 0 : index
    %get3A_30 = vector.load %arg5[%get3A_28, %get3A_29] : memref<1x40xf32, #tpu.memory_space<vmem>>, vector<1x40xf32>
    %add3A_31 = arith.addf %dot_general3A_27, %get3A_30 : vector<1x40xf32>
    %reduce_max3A = arith.constant dense<0xFF800000> : vector<1xf32>
    %reduce_max3A_32 = vector.multi_reduction <maximumf>, %add3A_31, %reduce_max3A [1] : vector<1x40xf32> to vector<1xf32>
    %broadcast_in_dim3A = vector.shape_cast %reduce_max3A_32 : vector<1xf32> to vector<1x1xf32>
    %sub3A = vector.broadcast %broadcast_in_dim3A : vector<1x1xf32> to vector<1x40xf32>
    %sub3A_33 = arith.subf %add3A_31, %sub3A : vector<1x40xf32>
    %exp3A = math.exp %sub3A_33 : vector<1x40xf32>
    %reduce_sum3A = arith.constant dense<0.000000e+00> : vector<1xf32>
    %reduce_sum3A_34 = vector.multi_reduction <add>, %exp3A, %reduce_sum3A [1] : vector<1x40xf32> to vector<1xf32>
    %broadcast_in_dim3A_35 = vector.shape_cast %reduce_sum3A_34 : vector<1xf32> to vector<1x1xf32>
    %div3A = vector.broadcast %broadcast_in_dim3A_35 : vector<1x1xf32> to vector<1x40xf32>
    %div3A_36 = arith.divf %exp3A, %div3A : vector<1x40xf32>
    %swap3A = arith.constant 0 : index
    %swap3A_37 = arith.constant 0 : index
    %swap3A_38 = vector.load %arg6[%swap3A, %swap3A_37] : memref<1x40xf32, #tpu.memory_space<vmem>>, vector<1x40xf32>
    tpu.vector_store %arg6[%swap3A, %swap3A_37], %div3A_36 {strides = array<i32>} : memref<1x40xf32, #tpu.memory_space<vmem>>, vector<1x40xf32>,
    return
  }
}

</mosaic_0001>

<sc_bundles>
// kernel: kernel.12.cloned.1.call-start
scs
__scs_entry_jumppad:
0x0: {  	(pc) =	sbr.rel $0x88, $3  }
0x1: {  	(tag) =	ssettag $0x0;
	lr =	simm.s32 $0x1  }
0x2: {  	[smem:$0x3F97] =	sst lr;
	_ =	strace $0xD0000000  }
0x3: {  	_ = 	snop  }
0x4: {  	_ = 	snop  }
0x5: {  	_ = 	snop  }
0x6: {  	_ = 	snop  }
0x7: {  	_ = 	snop  }
__scs_overlays_trampoline_lowered:
0x8: {  	[smem:$0x3FA6] =	sst s0  }
0x9: {  	[smem:$0x3FA7] =	sst s1  }
0xa: {  	[smem:$0x3FA8] =	sst s2  }
0xb: {  	[smem:$0x3FA9] =	sst s3  }
0xc: {  	[smem:$0x3FAA] =	sst s4  }
0xd: {  	[smem:$0x3FAB] =	sst s5  }
0xe: {  	[smem:$0x3FAC] =	sst s6  }
0xf: {  	[smem:$0x3FAD] =	sst s7  }
0x10: {  	[smem:$0x3FAE] =	sst s8  }
0x11: {  	[smem:$0x3FAF] =	sst s9;
	s0 =	simm.s32 @!p0 $0x0  }
0x12: {  	s1 =	sld [smem:$0x3F95];
	s0 =	simm.s32 @p0 $0x1  }
0x13: {  	[smem:$0x3FB0] =	sst s0;
	s0 =	simm.s32 @!p1 $0x0  }
0x14: {  	s2 =	sld [smem:$0x3F94];
	s0 =	simm.s32 @p1 $0x1  }
0x15: {  	[smem:$0x3FB1] =	sst s0;
	s0 =	simm.s32 @!p2 $0x0  }
0x16: {  	s3 =	sld [smem:$0x3FDB];
	s0 =	simm.s32 @p2 $0x1  }
0x17: {  	s4 =	simm.s32 $0x1BF5;
	[smem:$0x3FB3] =	sst s0  }
0x18: {  	s0 =	sld [smem:$0x3F96];
	_ =	swait.ge [sflag:s4], $0x0  }
0x19: {  	s7 =	sld [smem:$0x3F97]  }
0x1a: {  	s8 =	sadd.s32 $0xFFFFE003, lr  }
0x1b: {  	s9 =	sadd.s32 $0xFFFFFEF7, lr;
	s5 =	simm.s32 $0xFFFFFFFF;
	p2 =	slt.u32 s8, $0xFFFFF086  }
0x1c: {  	p1 =	slt.u32 s9, $0xF7A;
	s5 =	simm.s32 @!p2 $0x0  }
0x1d: {  	s5 =	simm.s32 @p1 $0x1;
	p0 =	seq.s32 s7, s2  }
0x1e: {  	s7 =	smul.u32 @!p0 $0xF7A, s2;
	p2 =	seq.s32 @!p0 s5, $0x0  }
0x1f: {  	s9 =	smul.u32 $0xF7A, s1;
	s8 =	simm.s32 @!p0 $0x1BF5;
	p2 =	por !p2, p0  }
0x20: {  	[sflag:s8] =	ssyncset.s32 @!p0 $0xFFFFF086;
	s6 =	sadd.s32 @!p0 s3, s7;
	s7 =	simm.s32 @!p0 $0x108  }
0x21: {  	s3 =	sadd.s32 s3, s9;
	s6 =	sadd.s32 @!p0 $0x88, s6;
	s7 =	simm.s32 @p2 $0x1082  }
0x22: {  	[simem:s7], [sflag:s8] =	dma.local @!p0 [hbm:s6], $0xF7A  }
0x23: {  	s9 =	sor.u32 $0xD0000000, s2;
	s6 =	simm.s32 $0x108;
	_ =	swait.ge @!p0 [sflag:s8], $0x0  }
0x24: {  	s3 =	sadd.s32 $0x88, s3;
	s6 =	simm.s32 @!p1 $0x1082;
	[sflag:s4] =	ssyncset.s32 $0xFFFFF086  }
0x25: {  	[simem:s6], [sflag:s4] =	dma.local [hbm:s3], $0xF7A  }
0x26: {  	[smem:$0x3F97] =	sst s1;
	(tag) =	ssettag s2;
	_ =	strace s9  }
0x27: {  	s1 =	sld [smem:$0x3FA7]  }
0x28: {  	s2 =	sld [smem:$0x3FA8]  }
0x29: {  	s4 =	sld [smem:$0x3FAA]  }
0x2a: {  	p0 =	seq.s32 s5, $0x0;
	s5 =	sld [smem:$0x3FAB]  }
0x2b: {  	s6 =	sld [smem:$0x3FAC]  }
0x2c: {  	s7 =	sld [smem:$0x3FAD]  }
0x2d: {  	s3 =	simm.s32 $0x108;
	s8 =	sld [smem:$0x3FAE]  }
0x2e: {  	s3 =	simm.s32 @!p0 $0x1082;
	s9 =	sld [smem:$0x3FAF]  }
0x2f: {  	lr =	sadd.s32 s0, s3;
	s0 =	sld [smem:$0x3FA6]  }
0x30: {  	s3 =	sld [smem:$0x3FA9]  }
0x31: {  	[smem:$0x3FB2] =	sst s10  }
0x32: {  	s10 =	sld [smem:$0x3FB0];
	_ =	sdelay $0x3  }
0x33: {  	p0 =	seq.s32 s10, $0x1;
	s10 =	sld [smem:$0x3FB2];
	_ =	sdelay $0x3  }
0x34: {  	[smem:$0x3FB2] =	sst s10  }
0x35: {  	s10 =	sld [smem:$0x3FB1];
	_ =	sdelay $0x3  }
0x36: {  	p1 =	seq.s32 s10, $0x1;
	s10 =	sld [smem:$0x3FB2];
	_ =	sdelay $0x3  }
0x37: {  	[smem:$0x3FB2] =	sst s10  }
0x38: {  	s10 =	sld [smem:$0x3FB3]  }
0x39: {  	_ = 	snop;
	(pc) =	sbr.ind lr, $3  }
0x3a: {  	_ = 	snop  }
0x3b: {  	_ = 	snop  }
0x3c: {  	p2 =	seq.s32 s10, $0x1;
	s10 =	sld [smem:$0x3FB2]  }
0x3d: {  	_ =	shalt  }
0x3e: {  	_ =	shalt  }
0x3f: {  	_ =	shalt  }
0x40: {  	_ =	shalt  }
0x41: {  	_ =	shalt  }
0x42: {  	_ =	shalt  }
0x43: {  	_ =	shalt  }
0x44: {  	_ =	shalt  }
0x45: {  	_ =	shalt  }
0x46: {  	_ =	shalt  }
0x47: {  	_ =	shalt  }
0x48: {  	_ =	shalt  }
0x49: {  	_ =	shalt  }
0x4a: {  	_ =	shalt  }
0x4b: {  	_ =	shalt  }
0x4c: {  	_ =	shalt  }
0x4d: {  	_ =	shalt  }
0x4e: {  	_ =	shalt  }
0x4f: {  	_ =	shalt  }
0x50: {  	_ =	shalt  }
0x51: {  	_ =	shalt  }
0x52: {  	_ =	shalt  }
0x53: {  	_ =	shalt  }
0x54: {  	_ =	shalt  }
0x55: {  	_ =	shalt  }
0x56: {  	_ =	shalt  }
0x57: {  	_ =	shalt  }
0x58: {  	_ =	shalt  }
0x59: {  	_ =	shalt  }
0x5a: {  	_ =	shalt  }
0x5b: {  	_ =	shalt  }
0x5c: {  	_ =	shalt  }
0x5d: {  	_ =	shalt  }
0x5e: {  	_ =	shalt  }
0x5f: {  	_ =	shalt  }
0x60: {  	_ =	shalt  }
0x61: {  	_ =	shalt  }
0x62: {  	_ =	shalt  }
0x63: {  	_ =	shalt  }
0x64: {  	_ =	shalt  }
0x65: {  	_ =	shalt  }
0x66: {  	_ =	shalt  }
0x67: {  	_ =	shalt  }
0x68: {  	_ =	shalt  }
0x69: {  	_ =	shalt  }
0x6a: {  	_ =	shalt  }
0x6b: {  	_ =	shalt  }
0x6c: {  	_ =	shalt  }
0x6d: {  	_ =	shalt  }
0x6e: {  	_ =	shalt  }
0x6f: {  	_ =	shalt  }
0x70: {  	_ =	shalt  }
0x71: {  	_ =	shalt  }
0x72: {  	_ =	shalt  }
0x73: {  	_ =	shalt  }
0x74: {  	_ =	shalt  }
0x75: {  	_ =	shalt  }
0x76: {  	_ =	shalt  }
0x77: {  	_ =	shalt  }
0x78: {  	_ =	shalt  }
0x79: {  	_ =	shalt  }
0x7a: {  	_ =	shalt  }
0x7b: {  	_ =	shalt  }
0x7c: {  	_ =	shalt  }
0x7d: {  	_ =	shalt  }
0x7e: {  	_ =	shalt  }
0x7f: {  	_ =	shalt  }
0x80: {  	_ =	shalt  }
0x81: {  	_ =	shalt  }
0x82: {  	_ =	shalt  }
0x83: {  	_ =	shalt  }
0x84: {  	_ =	shalt  }
0x85: {  	_ =	shalt  }
0x86: {  	_ =	shalt  }
0x87: {  	_ =	shalt  }
.Lfunc_end0:
.L_simem_size_0:
called_computation.1_lowered:
.L_overlay_start_0:
0x88: {  	s2 =	sld [smem:$0x3FD9]  }
0x89: {  	s3 =	sld [smem:$0x3FFE];
	_ =	sdelay $0x1  }
0x8a: {  	s1 =	srdreg.scid  }
0x8b: {  	s0 =	sand.u32 $0x1, s1  }
0x8c: {  	s16 =	sshll.u32 s0, $0xA;
	s2 =	sadd.s32 s3, s2  }
0x8d: {  	s2 =	sadd.s32 s2, s16  }
0x8e: {  	[smem:$0x3FBE] =	sst s2  }
0x8f: {  	_ = 	snop  }
0x90: {  	(tm) =	ssettm $0x1  }
0x91: {  	s17 =	sld [smem:$0x3FFB];
	_ =	sdelay $0x3  }
0x92: {  	_ =	strace s17  }
0x93: {  	s2 =	sld [smem:$0x3FFC];
	_ =	sdelay $0x3  }
0x94: {  	_ =	strace s2  }
0x95: {  	s2 =	sld [smem:$0x3FFD];
	_ =	sdelay $0x3  }
0x96: {  	_ =	strace s2  }
0x97: {  	_ =	strace $0x8FFFFFFF  }
0x98: {  	s18 =	sld [smem:$0x3FDB];
	_ =	sdelay $0x1  }
0x99: {  	s19 =	simm.s32 $_scs_section_size  }
0x9a: {  	s4 =	simm.s32 $_size__tile_overlayer_lowered;
	s5 =	simm.s32 $_tile_overlayer_lowered  }
0x9b: {  	s22 =	simm.s32 $0x1BFF;
	s21 =	sshll.u32 s5, $0x1;
	s2 =	sadd.s32 s19, s18  }
0x9c: {  	s6 =	simm.s32 $0x0;
	s20 =	sshll.u32 s4, $0x1;
	s4 =	sadd.s32 s21, s2  }
0x9d: {  	[timem:s6], [sflag:s22] =	dma.local [hbm:s4], s20  }
0x9e: {  	_ =	swait.ge [sflag:s22], s20  }
0x9f: {  	s3 =	ssub.s32 $0x0, s20;
	[sflag:s22] =	ssyncset.done $0x0  }
0xa0: {  	[sflag:s22] =	ssyncadd.s32 s3;
	_ =	sdelay $0x1  }
0xa1: {  	s23 =	simm.s32 $0x1B8B  }
0xa2: {  	_ =	swait.ge [sflag:s23], $0x1  }
0xa3: {  	[sflag:s23] =	ssyncset.done $0x0  }
0xa4: {  	s25 =	simm.s32 $0x1B8E;
	s24 =	sld [smem:$0x3FFE];
	[sflag:s23] =	ssyncadd.s32 $0xFFFFFFFF  }
0xa5: {  	s26 =	simm.s32 $execute0_lowered;
	[smem:$0x3FD2] =	sst s25  }
0xa6: {  	s4 =	sshll.u32 s26, $0x1;
	_ =	strace $0x80000049;
	[dreg:$0x1] =	wrdreg $0xFFFFFFFF  }
0xa7: {  	s28 =	simm.s32 $_size_execute0_lowered;
	s2 =	sadd.s32 s2, s4;
	[dreg:$0x0] =	wrdreg $0x0  }
0xa8: {  	s4 =	sshll.u32 s28, $0x1;
	[dreg:$0x2] =	wrdreg s2  }
0xa9: {  	[dreg:$0x3] =	wrdreg s4  }
0xaa: {  	[dreg:$0x4] =	wrdreg $0xC0  }
0xab: {  	_ =	task [dreg:s6], $0x5FFFF  }
0xac: {  	[dreg:$0x1] =	wrdreg $0xFFFFFFFF  }
0xad: {  	[dreg:$0x0] =	wrdreg $0x60  }
0xae: {  	[dreg:$0x2] =	wrdreg s24  }
0xaf: {  	[dreg:$0x3] =	wrdreg $0x41000  }
0xb0: {  	[dreg:$0x4] =	wrdreg $0x9  }
0xb1: {  	_ =	task.clear_ibuf [dreg:s6], $0x5FFFF;
	_ =	strace $0x90000049  }
0xb2: {  	s29 =	simm.s32 $0x9;
	_ =	strace $0x8000004B  }
0xb3: {  	_ =	swait.ge [sflag:s29], $0x1  }
0xb4: {  	[sflag:s29] =	ssyncadd.s32 $0xFFFFFFFF  }
0xb5: {  	_ =	strace $0x9000004B  }
0xb6: {  	_ =	sfence  }
0xb7: {  	s30 =	sld [smem:$0x0];
	_ =	sdelay $0x2  }
0xb8: {  	s31 =	sshll.u32 s1, $0xD;
	s1 =	sshrl.u32 s1, $0x2  }
0xb9: {  	s3 =	sand.u32 $0x4000, s31;
	s1 =	sadd.s32 s1, s30  }
0xba: {  	s0 =	sor.u32 s3, s0;
	s1 =	sshll.u32 s1, $0x11  }
0xbb: {  	s0 =	sor.u32 s1, s0  }
0xbc: {  	s0 =	sadd.s32 $0x8F2B, s0  }
0xbd: {  	[sflag:s0] =	ssyncadd.remote.s32 $0x1  }
0xbe: {  	_ =	sfence.sel $0xFFFF  }
0xbf: {  	[dreg:$0x0] =	wrdreg $0xFFFFFFFF;
	(pc) =	sbr.abs _section_cstart, $3  }
0xc0: {  	[dreg:$0x1] =	wrdreg $0xFFFFFFFF  }
0xc1: {  	_ =	task.clear_ibuf [dreg:s6], $0x2FFFF;
	_ =	strace $0x9FFFFFFF  }
0xc2: {  	(tm) =	ssettm $0x7FFFFFFF  }
0xc3: {  	_ =	shalt  }
tec
execute0_lowered:
.L_overlay_start_1:
0x0: {  	(tag) =	ssettag $0x1  }
0x1: {  	s5 =	rddreg [dreg:$0x0];
	s0 =	srdreg.scid  }
0x2: {  	s2 =	rddreg [dreg:$0x1];
	s1 =	stileid.u32;
	s3 =	simm.s32 $0x0  }
0x3: {  	s15 =	simm.s32 $0x2;
	s16 =	simm.s32 $0x80;
	s7 =	smul.u32 $0x14000, s1  }
0x4: {  	s17 =	simm.s32 $0x1;
	s20 =	simm.s32 $0x0;
	s8 =	smul.u32 $0x9E0, s1  }
0x5: {  	s6 =	sand.u32 $0x1, s0;
	s0 =	rddreg [dreg:$0x2];
	s9 =	smul.u32 $0x50000, s1  }
0x6: {  	[smem:$0x7FF] =	sst s3;
	s18 =	sshll.u32 s1, $0x6;
	s4 =	smul.u32 $0x140000, s6  }
0x7: {  	_ =	strace $0x8000004A;
	s29 =	ssub.s32 $0x2, s6;
	s12 =	smul.u32 $0x4F0, s6  }
0x8: {  	s18 =	sor.u32 $0x1C02, s18;
	s10 =	sadd.s32 s8, s5;
	s30 =	sshrl.u32 s9, $0x2  }
0x9: {  	s31 =	sshrl.u32 s29, $0x1;
	s7 =	sadd.s32 s7, s4;
	s4 =	sadd.s32 $0x17800, s5  }
0xa: {  	s13 =	ssub.s32 s29, s31;
	s14 =	sadd.s32 s12, s10;
	s7 =	sshrl.u32 s7, $0x3  }
0xb: {  	s12 =	sadd.s32 $0x3200, s14;
	s11 =	sadd.s32 s7, s5;
	s5 =	sadd.s32 s30, s2  }
0xc: {  	s6 =	sadd.s32 $0x4000, s5;
	s7 =	sadd.s32 $0x8000, s5;
	s8 =	sadd.s32 $0xC000, s5  }
0xd: {  	s9 =	sadd.s32 $0x10000, s5;
	s10 =	sadd.s32 $0x3F800, s11;
	s11 =	smax.u32 s13, $0x1  }
0xe: {  	v0 =	vimm.f32 $0.0e+00;
	s13 =	sadd.s32 $0xDA00, s14;
	s14 =	simm.s32 $0x100;
	s19 =	sshrl.u32 s5, $0x3  }
.LBB2_1:
0xf: {  	s21 =	simm.s32 $0x0;
	s22 =	simm.s32 $0x200  }
.LBB2_2:
0x10: {  	p0 =	sne.s32 s22, $0xFE00;
	[tilespmem:s21+$0x170] =	vst v0  }
0x11: {  	[tilespmem:s21+$0x100] =	vst v0  }
0x12: {  	[tilespmem:s21+$0x110] =	vst v0  }
.Ltmp0:
0x13: {  	[tilespmem:s21+$0x120] =	vst v0;
	(pc) =	sbr.rel @p0 .LBB2_2-.Ltmp0, $4  }
0x14: {  	[tilespmem:s21+$0x130] =	vst v0  }
0x15: {  	[tilespmem:s21+$0x140] =	vst v0  }
0x16: {  	[tilespmem:s21+$0x150] =	vst v0  }
0x17: {  	[tilespmem:s21+$0x160] =	vst v0;
	s21 =	sshra.s32 s22, $0x2;
	s22 =	sadd.s32 $0x200, s22  }
0x18: {  	[tilespmem:s21+$0x170] =	vst v0  }
0x19: {  	[tilespmem:s21+$0x100] =	vst v0  }
0x1a: {  	[tilespmem:s21+$0x110] =	vst v0  }
0x1b: {  	[tilespmem:s21+$0x120] =	vst v0  }
0x1c: {  	[tilespmem:s21+$0x130] =	vst v0  }
0x1d: {  	[tilespmem:s21+$0x140] =	vst v0  }
0x1e: {  	[tilespmem:s21+$0x150] =	vst v0  }
0x1f: {  	[tilespmem:s21+$0x160] =	vst v0  }
0x20: {  	[spmem:s5] =	stream.linear.scatter [tilespmem:s14], [sflag:$0x2], $0x4000, $0x38;
	[tilespmem:$0x18100] =	vst v63  }
0x21: {  	_ =	swait.ge [sflag:s15], $0x4000  }
0x22: {  	[sflag:s15] =	ssyncset.done $0x0  }
0x23: {  	[sflag:s15] =	ssyncadd.s32 $0xFFFFC000  }
0x24: {  	[spmem:s6] =	stream.linear.scatter [tilespmem:s14], [sflag:$0x2], $0x4000, $0x38;
	[tilespmem:$0x18100] =	vst v63  }
0x25: {  	_ =	swait.ge [sflag:s15], $0x4000  }
0x26: {  	[sflag:s15] =	ssyncset.done $0x0  }
0x27: {  	[sflag:s15] =	ssyncadd.s32 $0xFFFFC000  }
0x28: {  	[spmem:s7] =	stream.linear.scatter [tilespmem:s14], [sflag:$0x2], $0x4000, $0x38;
	[tilespmem:$0x18100] =	vst v63  }
0x29: {  	_ =	swait.ge [sflag:s15], $0x4000  }
0x2a: {  	[sflag:s15] =	ssyncset.done $0x0  }
0x2b: {  	[sflag:s15] =	ssyncadd.s32 $0xFFFFC000  }
0x2c: {  	[spmem:s8] =	stream.linear.scatter [tilespmem:s14], [sflag:$0x2], $0x4000, $0x38;
	[tilespmem:$0x18100] =	vst v63  }
0x2d: {  	_ =	swait.ge [sflag:s15], $0x4000  }
0x2e: {  	[sflag:s15] =	ssyncset.done $0x0  }
0x2f: {  	[sflag:s15] =	ssyncadd.s32 $0xFFFFC000  }
0x30: {  	[spmem:s9] =	stream.linear.scatter [tilespmem:s14], [sflag:$0x2], $0x4000, $0x38;
	[tilespmem:$0x18100] =	vst v63  }
0x31: {  	_ =	swait.ge [sflag:s15], $0x4000  }
0x32: {  	[sflag:s15] =	ssyncset.done $0x0  }
0x33: {  	[sflag:s15] =	ssyncadd.s32 $0xFFFFC000  }
0x34: {  	s30 =	sadd.s32 $0x0, s13;
	[bflag:$0x0] =	sbarrier.arrive $0xFFFF  }
0x35: {  	[tilespmem:s3], [sflag:$0x2] =	stream.linear.gather [hbm4b:s30+s3], $0x80, $0x38;
	[tilespmem:$0x18100] =	vst v63  }
0x36: {  	_ =	swait.ge [sflag:s15], $0x80  }
0x37: {  	[sflag:s15] =	ssyncset.done $0x0  }
0x38: {  	s31 =	sadd.s32 $0x0, s12;
	[sflag:s15] =	ssyncadd.s32 $0xFFFFFF80  }
0x39: {  	[tilespmem:s16], [sflag:$0x2] =	stream.linear.gather [hbm4b:s31+s3], $0x80, $0x38;
	[tilespmem:$0x18100] =	vst v63  }
0x3a: {  	_ =	swait.ge [sflag:s15], $0x80  }
0x3b: {  	[sflag:s15] =	ssyncset.done $0x0  }
0x3c: {  	[sflag:s15] =	ssyncadd.s32 $0xFFFFFF80  }
0x3d: {  	[tilespmem:s14], [sflag:$0x1] =	stream.indirect.gather [hbm4b:s4+s16], $0x80, s3, s16, $0xb8;
	[tilespmem:$0x18100] =	vst v63  }
0x3e: {  	_ =	swait.ge [sflag:s17], $0x4000  }
0x3f: {  	[sflag:s17] =	ssyncset.done $0x0  }
0x40: {  	[sflag:s17] =	ssyncadd.s32 $0xFFFFC000  }
0x41: {  	[spmem:s2] =	stream.indirect.scatter.add.f32 [tilespmem:s14], [sflag:$0x2], $0x80, s16, s16, $0xb8;
	[tilespmem:$0x18100] =	vst v63  }
0x42: {  	_ =	swait.ge [sflag:s15], $0x4000  }
0x43: {  	s21 =	simm.s32 $0x10;
	s22 =	simm.s32 $0x20;
	[sflag:s15] =	ssyncset.done $0x0  }
.LBB2_4:
0x44: {  	s23 =	sadd.s32 s21, s13  }
0x45: {  	[sflag:s15] =	ssyncadd.s32 $0xFFFFC000;
	s24 =	smov.u32 s22;
	s25 =	sadd.s32 $0x10, s22  }
0x46: {  	[tilespmem:s3], [sflag:$0x2] =	stream.linear.gather [hbm4b:s23+s3], $0x80, $0x38;
	[tilespmem:$0x18100] =	vst v63  }
0x47: {  	p0 =	sne.s32 s22, $0x4E0;
	_ =	swait.ge [sflag:s15], $0x80  }
0x48: {  	[sflag:s15] =	ssyncset.done $0x0  }
0x49: {  	s22 =	sadd.s32 s21, s12;
	s21 =	smov.u32 s24;
	[sflag:s15] =	ssyncadd.s32 $0xFFFFFF80  }
0x4a: {  	[tilespmem:s16], [sflag:$0x2] =	stream.linear.gather [hbm4b:s22+s3], $0x80, $0x38;
	[tilespmem:$0x18100] =	vst v63  }
0x4b: {  	_ =	swait.ge [sflag:s15], $0x80  }
0x4c: {  	[sflag:s15] =	ssyncset.done $0x0  }
0x4d: {  	[sflag:s15] =	ssyncadd.s32 $0xFFFFFF80  }
0x4e: {  	[tilespmem:s14], [sflag:$0x1] =	stream.indirect.gather [hbm4b:s4+s16], $0x80, s3, s16, $0xb8;
	[tilespmem:$0x18100] =	vst v63  }
0x4f: {  	_ =	swait.ge [sflag:s17], $0x4000  }
.Ltmp1:
0x50: {  	[sflag:s17] =	ssyncset.done $0x0;
	(pc) =	sbr.rel @p0 .LBB2_4-.Ltmp1, $4  }
0x51: {  	[sflag:s17] =	ssyncadd.s32 $0xFFFFC000  }
0x52: {  	[spmem:s2] =	stream.indirect.scatter.add.f32 [tilespmem:s14], [sflag:$0x2], $0x80, s16, s16, $0xb8;
	[tilespmem:$0x18100] =	vst v63  }
0x53: {  	_ =	swait.ge [sflag:s15], $0x4000  }
0x54: {  	s22 =	smov.u32 s25;
	[sflag:s15] =	ssyncset.done $0x0  }
0x55: {  	s22 =	sadd.s32 s21, s13;
	[sflag:s15] =	ssyncadd.s32 $0xFFFFC000  }
0x56: {  	[tilespmem:s3], [sflag:$0x2] =	stream.linear.gather [hbm4b:s22+s3], $0x80, $0x38;
	[tilespmem:$0x18100] =	vst v63  }
0x57: {  	_ =	swait.ge [sflag:s15], $0x80  }
0x58: {  	[sflag:s15] =	ssyncset.done $0x0  }
0x59: {  	s31 =	sadd.s32 s21, s12;
	[sflag:s15] =	ssyncadd.s32 $0xFFFFFF80  }
0x5a: {  	[tilespmem:s16], [sflag:$0x2] =	stream.linear.gather [hbm4b:s31+s3], $0x80, $0x38;
	[tilespmem:$0x18100] =	vst v63  }
0x5b: {  	_ =	swait.ge [sflag:s15], $0x80  }
0x5c: {  	[sflag:s15] =	ssyncset.done $0x0  }
0x5d: {  	[sflag:s15] =	ssyncadd.s32 $0xFFFFFF80  }
0x5e: {  	[tilespmem:s14], [sflag:$0x1] =	stream.indirect.gather [hbm4b:s4+s16], $0x80, s3, s16, $0xb8;
	[tilespmem:$0x18100] =	vst v63  }
0x5f: {  	_ =	swait.ge [sflag:s17], $0x4000  }
0x60: {  	[sflag:s17] =	ssyncset.done $0x0  }
0x61: {  	[sflag:s17] =	ssyncadd.s32 $0xFFFFC000  }
0x62: {  	[spmem:s2] =	stream.indirect.scatter.add.f32 [tilespmem:s14], [sflag:$0x2], $0x80, s16, s16, $0xb8;
	[tilespmem:$0x18100] =	vst v63  }
0x63: {  	_ =	swait.ge [sflag:s15], $0x4000  }
0x64: {  	s20 =	sadd.s32 $0x1, s20;
	[sflag:s15] =	ssyncset.done $0x0  }
0x65: {  	p0 =	sne.s32 s20, s11;
	[sflag:s15] =	ssyncadd.s32 $0xFFFFC000  }
.Ltmp2:
0x66: {  	[bflag:$0x0] =	sbarrier.arrive $0xFFFF;
	(pc) =	sbr.rel @p0 .LBB2_1-.Ltmp2, $4  }
0x67: {  	[hbm:s10], [sflag:s18] =	dma.local [spmem:s19], $0x2800  }
0x68: {  	_ =	swait.ge [sflag:s15], $0x2800  }
0x69: {  	[sflag:s15] =	ssyncset.done $0x0  }
0x6a: {  	[sflag:s15] =	ssyncadd.s32 $0xFFFFD800  }
0x6b: {  	_ =	sfence.sel $0x180000  }
0x6c: {  	[bflag:$0x0] =	sbarrier.arrive $0xFFFF  }
0x6d: {  	p0 =	sne.s32 s1, $0x0;
	_ =	strace $0x9000004A  }
0x6e: {  	s0 =	sadd.s32 @!p0 $0x100000, s0;
	[bflag:$0x2] =	sbarrier.arrive $0xFFFF  }
0x6f: {  	[sflag:s0] =	ssyncadd.tile.s32 @!p0 $0x1;
	_ =	shalt  }
.Lfunc_end2:
_tile_overlayer_lowered:
.L_overlay_start_2:
0x70: {  	(tag) =	ssettag $0x2  }
0x71: {  	s0 =	rddreg [dreg:$0x0];
	s2 =	stileid.u32  }
0x72: {  	s1 =	rddreg [dreg:$0x1];
	p0 =	sne.s32 s2, $0x0  }
0x73: {  	s3 =	rddreg [dreg:$0x2];
	[bflag:$0x3] =	sbarrier.arrive $0xFFFF;
	s2 =	simm.s32 @!p0 $0x1C02  }
0x74: {  	[timem:s3], [sflag:s2] =	dma.local @!p0 [hbm:s0], s1  }
0x75: {  	s0 =	simm.s32 @!p0 $0x2  }
0x76: {  	_ =	swait.ge @!p0 [sflag:s0], s1  }
0x77: {  	s1 =	ssub.s32 @!p0 $0x0, s1;
	[sflag:s0] =	ssyncset.done @!p0 $0x0  }
0x78: {  	[sflag:s0] =	ssyncadd.s32 @!p0 s1  }
0x79: {  	[bflag:$0x3] =	sbarrier.arrive $0xFFFF  }
0x7a: {  	_ =	shalt  }

// kernel: kernel.15.cloned.1.call-start
scs
__scs_entry_jumppad:
0x0: {  	(pc) =	sbr.rel $0x88, $3  }
0x1: {  	(tag) =	ssettag $0x0;
	lr =	simm.s32 $0x1  }
0x2: {  	[smem:$0x3F97] =	sst lr;
	_ =	strace $0xD0000000  }
0x3: {  	_ = 	snop  }
0x4: {  	_ = 	snop  }
0x5: {  	_ = 	snop  }
0x6: {  	_ = 	snop  }
0x7: {  	_ = 	snop  }
__scs_overlays_trampoline_lowered:
0x8: {  	[smem:$0x3FA6] =	sst s0  }
0x9: {  	[smem:$0x3FA7] =	sst s1  }
0xa: {  	[smem:$0x3FA8] =	sst s2  }
0xb: {  	[smem:$0x3FA9] =	sst s3  }
0xc: {  	[smem:$0x3FAA] =	sst s4  }
0xd: {  	[smem:$0x3FAB] =	sst s5  }
0xe: {  	[smem:$0x3FAC] =	sst s6  }
0xf: {  	[smem:$0x3FAD] =	sst s7  }
0x10: {  	[smem:$0x3FAE] =	sst s8  }
0x11: {  	[smem:$0x3FAF] =	sst s9;
	s0 =	simm.s32 @!p0 $0x0  }
0x12: {  	s1 =	sld [smem:$0x3F95];
	s0 =	simm.s32 @p0 $0x1  }
0x13: {  	[smem:$0x3FB0] =	sst s0;
	s0 =	simm.s32 @!p1 $0x0  }
0x14: {  	s2 =	sld [smem:$0x3F94];
	s0 =	simm.s32 @p1 $0x1  }
0x15: {  	[smem:$0x3FB1] =	sst s0;
	s0 =	simm.s32 @!p2 $0x0  }
0x16: {  	s3 =	sld [smem:$0x3FDB];
	s0 =	simm.s32 @p2 $0x1  }
0x17: {  	s4 =	simm.s32 $0x1BF5;
	[smem:$0x3FB3] =	sst s0  }
0x18: {  	s0 =	sld [smem:$0x3F96];
	_ =	swait.ge [sflag:s4], $0x0  }
0x19: {  	s7 =	sld [smem:$0x3F97]  }
0x1a: {  	s8 =	sadd.s32 $0xFFFFE003, lr  }
0x1b: {  	s9 =	sadd.s32 $0xFFFFFEF7, lr;
	s5 =	simm.s32 $0xFFFFFFFF;
	p2 =	slt.u32 s8, $0xFFFFF086  }
0x1c: {  	p1 =	slt.u32 s9, $0xF7A;
	s5 =	simm.s32 @!p2 $0x0  }
0x1d: {  	s5 =	simm.s32 @p1 $0x1;
	p0 =	seq.s32 s7, s2  }
0x1e: {  	s7 =	smul.u32 @!p0 $0xF7A, s2;
	p2 =	seq.s32 @!p0 s5, $0x0  }
0x1f: {  	s9 =	smul.u32 $0xF7A, s1;
	s8 =	simm.s32 @!p0 $0x1BF5;
	p2 =	por !p2, p0  }
0x20: {  	[sflag:s8] =	ssyncset.s32 @!p0 $0xFFFFF086;
	s6 =	sadd.s32 @!p0 s3, s7;
	s7 =	simm.s32 @!p0 $0x108  }
0x21: {  	s3 =	sadd.s32 s3, s9;
	s6 =	sadd.s32 @!p0 $0x88, s6;
	s7 =	simm.s32 @p2 $0x1082  }
0x22: {  	[simem:s7], [sflag:s8] =	dma.local @!p0 [hbm:s6], $0xF7A  }
0x23: {  	s9 =	sor.u32 $0xD0000000, s2;
	s6 =	simm.s32 $0x108;
	_ =	swait.ge @!p0 [sflag:s8], $0x0  }
0x24: {  	s3 =	sadd.s32 $0x88, s3;
	s6 =	simm.s32 @!p1 $0x1082;
	[sflag:s4] =	ssyncset.s32 $0xFFFFF086  }
0x25: {  	[simem:s6], [sflag:s4] =	dma.local [hbm:s3], $0xF7A  }
0x26: {  	[smem:$0x3F97] =	sst s1;
	(tag) =	ssettag s2;
	_ =	strace s9  }
0x27: {  	s1 =	sld [smem:$0x3FA7]  }
0x28: {  	s2 =	sld [smem:$0x3FA8]  }
0x29: {  	s4 =	sld [smem:$0x3FAA]  }
0x2a: {  	p0 =	seq.s32 s5, $0x0;
	s5 =	sld [smem:$0x3FAB]  }
0x2b: {  	s6 =	sld [smem:$0x3FAC]  }
0x2c: {  	s7 =	sld [smem:$0x3FAD]  }
0x2d: {  	s3 =	simm.s32 $0x108;
	s8 =	sld [smem:$0x3FAE]  }
0x2e: {  	s3 =	simm.s32 @!p0 $0x1082;
	s9 =	sld [smem:$0x3FAF]  }
0x2f: {  	lr =	sadd.s32 s0, s3;
	s0 =	sld [smem:$0x3FA6]  }
0x30: {  	s3 =	sld [smem:$0x3FA9]  }
0x31: {  	[smem:$0x3FB2] =	sst s10  }
0x32: {  	s10 =	sld [smem:$0x3FB0];
	_ =	sdelay $0x3  }
0x33: {  	p0 =	seq.s32 s10, $0x1;
	s10 =	sld [smem:$0x3FB2];
	_ =	sdelay $0x3  }
0x34: {  	[smem:$0x3FB2] =	sst s10  }
0x35: {  	s10 =	sld [smem:$0x3FB1];
	_ =	sdelay $0x3  }
0x36: {  	p1 =	seq.s32 s10, $0x1;
	s10 =	sld [smem:$0x3FB2];
	_ =	sdelay $0x3  }
0x37: {  	[smem:$0x3FB2] =	sst s10  }
0x38: {  	s10 =	sld [smem:$0x3FB3]  }
0x39: {  	_ = 	snop;
	(pc) =	sbr.ind lr, $3  }
0x3a: {  	_ = 	snop  }
0x3b: {  	_ = 	snop  }
0x3c: {  	p2 =	seq.s32 s10, $0x1;
	s10 =	sld [smem:$0x3FB2]  }
0x3d: {  	_ =	shalt  }
0x3e: {  	_ =	shalt  }
0x3f: {  	_ =	shalt  }
0x40: {  	_ =	shalt  }
0x41: {  	_ =	shalt  }
0x42: {  	_ =	shalt  }
0x43: {  	_ =	shalt  }
0x44: {  	_ =	shalt  }
0x45: {  	_ =	shalt  }
0x46: {  	_ =	shalt  }
0x47: {  	_ =	shalt  }
0x48: {  	_ =	shalt  }
0x49: {  	_ =	shalt  }
0x4a: {  	_ =	shalt  }
0x4b: {  	_ =	shalt  }
0x4c: {  	_ =	shalt  }
0x4d: {  	_ =	shalt  }
0x4e: {  	_ =	shalt  }
0x4f: {  	_ =	shalt  }
0x50: {  	_ =	shalt  }
0x51: {  	_ =	shalt  }
0x52: {  	_ =	shalt  }
0x53: {  	_ =	shalt  }
0x54: {  	_ =	shalt  }
0x55: {  	_ =	shalt  }
0x56: {  	_ =	shalt  }
0x57: {  	_ =	shalt  }
0x58: {  	_ =	shalt  }
0x59: {  	_ =	shalt  }
0x5a: {  	_ =	shalt  }
0x5b: {  	_ =	shalt  }
0x5c: {  	_ =	shalt  }
0x5d: {  	_ =	shalt  }
0x5e: {  	_ =	shalt  }
0x5f: {  	_ =	shalt  }
0x60: {  	_ =	shalt  }
0x61: {  	_ =	shalt  }
0x62: {  	_ =	shalt  }
0x63: {  	_ =	shalt  }
0x64: {  	_ =	shalt  }
0x65: {  	_ =	shalt  }
0x66: {  	_ =	shalt  }
0x67: {  	_ =	shalt  }
0x68: {  	_ =	shalt  }
0x69: {  	_ =	shalt  }
0x6a: {  	_ =	shalt  }
0x6b: {  	_ =	shalt  }
0x6c: {  	_ =	shalt  }
0x6d: {  	_ =	shalt  }
0x6e: {  	_ =	shalt  }
0x6f: {  	_ =	shalt  }
0x70: {  	_ =	shalt  }
0x71: {  	_ =	shalt  }
0x72: {  	_ =	shalt  }
0x73: {  	_ =	shalt  }
0x74: {  	_ =	shalt  }
0x75: {  	_ =	shalt  }
0x76: {  	_ =	shalt  }
0x77: {  	_ =	shalt  }
0x78: {  	_ =	shalt  }
0x79: {  	_ =	shalt  }
0x7a: {  	_ =	shalt  }
0x7b: {  	_ =	shalt  }
0x7c: {  	_ =	shalt  }
0x7d: {  	_ =	shalt  }
0x7e: {  	_ =	shalt  }
0x7f: {  	_ =	shalt  }
0x80: {  	_ =	shalt  }
0x81: {  	_ =	shalt  }
0x82: {  	_ =	shalt  }
0x83: {  	_ =	shalt  }
0x84: {  	_ =	shalt  }
0x85: {  	_ =	shalt  }
0x86: {  	_ =	shalt  }
0x87: {  	_ =	shalt  }
.Lfunc_end0:
.L_simem_size_0:
called_computation.2_lowered:
.L_overlay_start_0:
0x88: {  	s2 =	sld [smem:$0x3FD9]  }
0x89: {  	s3 =	sld [smem:$0x3FFE];
	_ =	sdelay $0x1  }
0x8a: {  	s1 =	srdreg.scid  }
0x8b: {  	s0 =	sand.u32 $0x1, s1  }
0x8c: {  	s16 =	sshll.u32 s0, $0xA;
	s2 =	sadd.s32 s3, s2  }
0x8d: {  	s2 =	sadd.s32 s2, s16  }
0x8e: {  	[smem:$0x3FBE] =	sst s2  }
0x8f: {  	_ = 	snop  }
0x90: {  	(tm) =	ssettm $0x1  }
0x91: {  	s17 =	sld [smem:$0x3FFB];
	_ =	sdelay $0x3  }
0x92: {  	_ =	strace s17  }
0x93: {  	s2 =	sld [smem:$0x3FFC];
	_ =	sdelay $0x3  }
0x94: {  	_ =	strace s2  }
0x95: {  	s2 =	sld [smem:$0x3FFD];
	_ =	sdelay $0x3  }
0x96: {  	_ =	strace s2  }
0x97: {  	_ =	strace $0x8FFFFFFF  }
0x98: {  	s18 =	sld [smem:$0x3FDB];
	_ =	sdelay $0x1  }
0x99: {  	s19 =	simm.s32 $_scs_section_size  }
0x9a: {  	s4 =	simm.s32 $_size__tile_overlayer_lowered;
	s5 =	simm.s32 $_tile_overlayer_lowered  }
0x9b: {  	s22 =	simm.s32 $0x1BFF;
	s21 =	sshll.u32 s5, $0x1;
	s2 =	sadd.s32 s19, s18  }
0x9c: {  	s6 =	simm.s32 $0x0;
	s20 =	sshll.u32 s4, $0x1;
	s4 =	sadd.s32 s21, s2  }
0x9d: {  	[timem:s6], [sflag:s22] =	dma.local [hbm:s4], s20  }
0x9e: {  	_ =	swait.ge [sflag:s22], s20  }
0x9f: {  	s3 =	ssub.s32 $0x0, s20;
	[sflag:s22] =	ssyncset.done $0x0  }
0xa0: {  	[sflag:s22] =	ssyncadd.s32 s3;
	_ =	sdelay $0x1  }
0xa1: {  	s23 =	simm.s32 $0x1B8B  }
0xa2: {  	_ =	swait.ge [sflag:s23], $0x1  }
0xa3: {  	[sflag:s23] =	ssyncset.done $0x0  }
0xa4: {  	s25 =	simm.s32 $0x1B8E;
	s24 =	sld [smem:$0x3FFE];
	[sflag:s23] =	ssyncadd.s32 $0xFFFFFFFF  }
0xa5: {  	s26 =	simm.s32 $execute0_lowered;
	[smem:$0x3FD2] =	sst s25  }
0xa6: {  	s4 =	sshll.u32 s26, $0x1;
	_ =	strace $0x8000004C;
	[dreg:$0x1] =	wrdreg $0xFFFFFFFF  }
0xa7: {  	s28 =	simm.s32 $_size_execute0_lowered;
	s2 =	sadd.s32 s2, s4;
	[dreg:$0x0] =	wrdreg $0x0  }
0xa8: {  	s4 =	sshll.u32 s28, $0x1;
	[dreg:$0x2] =	wrdreg s2  }
0xa9: {  	[dreg:$0x3] =	wrdreg s4  }
0xaa: {  	[dreg:$0x4] =	wrdreg $0xC0  }
0xab: {  	_ =	task [dreg:s6], $0x5FFFF  }
0xac: {  	[dreg:$0x1] =	wrdreg $0xFFFFFFFF  }
0xad: {  	[dreg:$0x0] =	wrdreg $0x60  }
0xae: {  	[dreg:$0x2] =	wrdreg s24  }
0xaf: {  	[dreg:$0x3] =	wrdreg $0x41000  }
0xb0: {  	[dreg:$0x4] =	wrdreg $0x9  }
0xb1: {  	_ =	task.clear_ibuf [dreg:s6], $0x5FFFF;
	_ =	strace $0x9000004C  }
0xb2: {  	s29 =	simm.s32 $0x9;
	_ =	strace $0x8000004E  }
0xb3: {  	_ =	swait.ge [sflag:s29], $0x1  }
0xb4: {  	[sflag:s29] =	ssyncadd.s32 $0xFFFFFFFF  }
0xb5: {  	_ =	strace $0x9000004E  }
0xb6: {  	_ =	sfence  }
0xb7: {  	s30 =	sld [smem:$0x0];
	_ =	sdelay $0x2  }
0xb8: {  	s31 =	sshll.u32 s1, $0xD;
	s1 =	sshrl.u32 s1, $0x2  }
0xb9: {  	s3 =	sand.u32 $0x4000, s31;
	s1 =	sadd.s32 s1, s30  }
0xba: {  	s0 =	sor.u32 s3, s0;
	s1 =	sshll.u32 s1, $0x11  }
0xbb: {  	s0 =	sor.u32 s1, s0  }
0xbc: {  	s0 =	sadd.s32 $0x8F2B, s0  }
0xbd: {  	[sflag:s0] =	ssyncadd.remote.s32 $0x1  }
0xbe: {  	_ =	sfence.sel $0xFFFF  }
0xbf: {  	[dreg:$0x0] =	wrdreg $0xFFFFFFFF;
	(pc) =	sbr.abs _section_cstart, $3  }
0xc0: {  	[dreg:$0x1] =	wrdreg $0xFFFFFFFF  }
0xc1: {  	_ =	task.clear_ibuf [dreg:s6], $0x2FFFF;
	_ =	strace $0x9FFFFFFF  }
0xc2: {  	(tm) =	ssettm $0x7FFFFFFF  }
0xc3: {  	_ =	shalt  }
tec
execute0_lowered:
.L_overlay_start_1:
0x0: {  	(tag) =	ssettag $0x1  }
0x1: {  	s5 =	rddreg [dreg:$0x0];
	s0 =	srdreg.scid  }
0x2: {  	s2 =	rddreg [dreg:$0x1];
	s1 =	stileid.u32;
	s3 =	simm.s32 $0x0  }
0x3: {  	s15 =	simm.s32 $0x2;
	s16 =	simm.s32 $0x80;
	s7 =	smul.u32 $0x14000, s1  }
0x4: {  	s17 =	simm.s32 $0x1;
	s20 =	simm.s32 $0x0;
	s8 =	smul.u32 $0x9E0, s1  }
0x5: {  	s6 =	sand.u32 $0x1, s0;
	s0 =	rddreg [dreg:$0x2];
	s9 =	smul.u32 $0x50000, s1  }
0x6: {  	[smem:$0x7FF] =	sst s3;
	s18 =	sshll.u32 s1, $0x6;
	s4 =	smul.u32 $0x140000, s6  }
0x7: {  	_ =	strace $0x8000004D;
	s29 =	ssub.s32 $0x2, s6;
	s12 =	smul.u32 $0x4F0, s6  }
0x8: {  	s18 =	sor.u32 $0x1C02, s18;
	s10 =	sadd.s32 s8, s5;
	s30 =	sshrl.u32 s9, $0x2  }
0x9: {  	s31 =	sshrl.u32 s29, $0x1;
	s7 =	sadd.s32 s7, s4;
	s4 =	sadd.s32 $0x17800, s5  }
0xa: {  	s13 =	ssub.s32 s29, s31;
	s14 =	sadd.s32 s12, s10;
	s7 =	sshrl.u32 s7, $0x3  }
0xb: {  	s12 =	sadd.s32 $0x3200, s14;
	s11 =	sadd.s32 s7, s5;
	s5 =	sadd.s32 s30, s2  }
0xc: {  	s6 =	sadd.s32 $0x4000, s5;
	s7 =	sadd.s32 $0x8000, s5;
	s8 =	sadd.s32 $0xC000, s5  }
0xd: {  	s9 =	sadd.s32 $0x10000, s5;
	s10 =	sadd.s32 $0x3F800, s11;
	s11 =	smax.u32 s13, $0x1  }
0xe: {  	v0 =	vimm.f32 $0.0e+00;
	s13 =	sadd.s32 $0xDA00, s14;
	s14 =	simm.s32 $0x100;
	s19 =	sshrl.u32 s5, $0x3  }
.LBB2_1:
0xf: {  	s21 =	simm.s32 $0x0;
	s22 =	simm.s32 $0x200  }
.LBB2_2:
0x10: {  	p0 =	sne.s32 s22, $0xFE00;
	[tilespmem:s21+$0x170] =	vst v0  }
0x11: {  	[tilespmem:s21+$0x100] =	vst v0  }
0x12: {  	[tilespmem:s21+$0x110] =	vst v0  }
.Ltmp0:
0x13: {  	[tilespmem:s21+$0x120] =	vst v0;
	(pc) =	sbr.rel @p0 .LBB2_2-.Ltmp0, $4  }
0x14: {  	[tilespmem:s21+$0x130] =	vst v0  }
0x15: {  	[tilespmem:s21+$0x140] =	vst v0  }
0x16: {  	[tilespmem:s21+$0x150] =	vst v0  }
0x17: {  	[tilespmem:s21+$0x160] =	vst v0;
	s21 =	sshra.s32 s22, $0x2;
	s22 =	sadd.s32 $0x200, s22  }
0x18: {  	[tilespmem:s21+$0x170] =	vst v0  }
0x19: {  	[tilespmem:s21+$0x100] =	vst v0  }
0x1a: {  	[tilespmem:s21+$0x110] =	vst v0  }
0x1b: {  	[tilespmem:s21+$0x120] =	vst v0  }
0x1c: {  	[tilespmem:s21+$0x130] =	vst v0  }
0x1d: {  	[tilespmem:s21+$0x140] =	vst v0  }
0x1e: {  	[tilespmem:s21+$0x150] =	vst v0  }
0x1f: {  	[tilespmem:s21+$0x160] =	vst v0  }
0x20: {  	[spmem:s5] =	stream.linear.scatter [tilespmem:s14], [sflag:$0x2], $0x4000, $0x38;
	[tilespmem:$0x18100] =	vst v63  }
0x21: {  	_ =	swait.ge [sflag:s15], $0x4000  }
0x22: {  	[sflag:s15] =	ssyncset.done $0x0  }
0x23: {  	[sflag:s15] =	ssyncadd.s32 $0xFFFFC000  }
0x24: {  	[spmem:s6] =	stream.linear.scatter [tilespmem:s14], [sflag:$0x2], $0x4000, $0x38;
	[tilespmem:$0x18100] =	vst v63  }
0x25: {  	_ =	swait.ge [sflag:s15], $0x4000  }
0x26: {  	[sflag:s15] =	ssyncset.done $0x0  }
0x27: {  	[sflag:s15] =	ssyncadd.s32 $0xFFFFC000  }
0x28: {  	[spmem:s7] =	stream.linear.scatter [tilespmem:s14], [sflag:$0x2], $0x4000, $0x38;
	[tilespmem:$0x18100] =	vst v63  }
0x29: {  	_ =	swait.ge [sflag:s15], $0x4000  }
0x2a: {  	[sflag:s15] =	ssyncset.done $0x0  }
0x2b: {  	[sflag:s15] =	ssyncadd.s32 $0xFFFFC000  }
0x2c: {  	[spmem:s8] =	stream.linear.scatter [tilespmem:s14], [sflag:$0x2], $0x4000, $0x38;
	[tilespmem:$0x18100] =	vst v63  }
0x2d: {  	_ =	swait.ge [sflag:s15], $0x4000  }
0x2e: {  	[sflag:s15] =	ssyncset.done $0x0  }
0x2f: {  	[sflag:s15] =	ssyncadd.s32 $0xFFFFC000  }
0x30: {  	[spmem:s9] =	stream.linear.scatter [tilespmem:s14], [sflag:$0x2], $0x4000, $0x38;
	[tilespmem:$0x18100] =	vst v63  }
0x31: {  	_ =	swait.ge [sflag:s15], $0x4000  }
0x32: {  	[sflag:s15] =	ssyncset.done $0x0  }
0x33: {  	[sflag:s15] =	ssyncadd.s32 $0xFFFFC000  }
0x34: {  	s30 =	sadd.s32 $0x0, s13;
	[bflag:$0x0] =	sbarrier.arrive $0xFFFF  }
0x35: {  	[tilespmem:s3], [sflag:$0x2] =	stream.linear.gather [hbm4b:s30+s3], $0x80, $0x38;
	[tilespmem:$0x18100] =	vst v63  }
0x36: {  	_ =	swait.ge [sflag:s15], $0x80  }
0x37: {  	[sflag:s15] =	ssyncset.done $0x0  }
0x38: {  	s31 =	sadd.s32 $0x0, s12;
	[sflag:s15] =	ssyncadd.s32 $0xFFFFFF80  }
0x39: {  	[tilespmem:s16], [sflag:$0x2] =	stream.linear.gather [hbm4b:s31+s3], $0x80, $0x38;
	[tilespmem:$0x18100] =	vst v63  }
0x3a: {  	_ =	swait.ge [sflag:s15], $0x80  }
0x3b: {  	[sflag:s15] =	ssyncset.done $0x0  }
0x3c: {  	[sflag:s15] =	ssyncadd.s32 $0xFFFFFF80  }
0x3d: {  	[tilespmem:s14], [sflag:$0x1] =	stream.indirect.gather [hbm4b:s4+s16], $0x80, s3, s16, $0xb8;
	[tilespmem:$0x18100] =	vst v63  }
0x3e: {  	_ =	swait.ge [sflag:s17], $0x4000  }
0x3f: {  	[sflag:s17] =	ssyncset.done $0x0  }
0x40: {  	[sflag:s17] =	ssyncadd.s32 $0xFFFFC000  }
0x41: {  	[spmem:s2] =	stream.indirect.scatter.add.f32 [tilespmem:s14], [sflag:$0x2], $0x80, s16, s16, $0xb8;
	[tilespmem:$0x18100] =	vst v63  }
0x42: {  	_ =	swait.ge [sflag:s15], $0x4000  }
0x43: {  	s21 =	simm.s32 $0x10;
	s22 =	simm.s32 $0x20;
	[sflag:s15] =	ssyncset.done $0x0  }
.LBB2_4:
0x44: {  	s23 =	sadd.s32 s21, s13  }
0x45: {  	[sflag:s15] =	ssyncadd.s32 $0xFFFFC000;
	s24 =	smov.u32 s22;
	s25 =	sadd.s32 $0x10, s22  }
0x46: {  	[tilespmem:s3], [sflag:$0x2] =	stream.linear.gather [hbm4b:s23+s3], $0x80, $0x38;
	[tilespmem:$0x18100] =	vst v63  }
0x47: {  	p0 =	sne.s32 s22, $0x4E0;
	_ =	swait.ge [sflag:s15], $0x80  }
0x48: {  	[sflag:s15] =	ssyncset.done $0x0  }
0x49: {  	s22 =	sadd.s32 s21, s12;
	s21 =	smov.u32 s24;
	[sflag:s15] =	ssyncadd.s32 $0xFFFFFF80  }
0x4a: {  	[tilespmem:s16], [sflag:$0x2] =	stream.linear.gather [hbm4b:s22+s3], $0x80, $0x38;
	[tilespmem:$0x18100] =	vst v63  }
0x4b: {  	_ =	swait.ge [sflag:s15], $0x80  }
0x4c: {  	[sflag:s15] =	ssyncset.done $0x0  }
0x4d: {  	[sflag:s15] =	ssyncadd.s32 $0xFFFFFF80  }
0x4e: {  	[tilespmem:s14], [sflag:$0x1] =	stream.indirect.gather [hbm4b:s4+s16], $0x80, s3, s16, $0xb8;
	[tilespmem:$0x18100] =	vst v63  }
0x4f: {  	_ =	swait.ge [sflag:s17], $0x4000  }
.Ltmp1:
0x50: {  	[sflag:s17] =	ssyncset.done $0x0;
	(pc) =	sbr.rel @p0 .LBB2_4-.Ltmp1, $4  }
0x51: {  	[sflag:s17] =	ssyncadd.s32 $0xFFFFC000  }
0x52: {  	[spmem:s2] =	stream.indirect.scatter.add.f32 [tilespmem:s14], [sflag:$0x2], $0x80, s16, s16, $0xb8;
	[tilespmem:$0x18100] =	vst v63  }
0x53: {  	_ =	swait.ge [sflag:s15], $0x4000  }
0x54: {  	s22 =	smov.u32 s25;
	[sflag:s15] =	ssyncset.done $0x0  }
0x55: {  	s22 =	sadd.s32 s21, s13;
	[sflag:s15] =	ssyncadd.s32 $0xFFFFC000  }
0x56: {  	[tilespmem:s3], [sflag:$0x2] =	stream.linear.gather [hbm4b:s22+s3], $0x80, $0x38;
	[tilespmem:$0x18100] =	vst v63  }
0x57: {  	_ =	swait.ge [sflag:s15], $0x80  }
0x58: {  	[sflag:s15] =	ssyncset.done $0x0  }
0x59: {  	s31 =	sadd.s32 s21, s12;
	[sflag:s15] =	ssyncadd.s32 $0xFFFFFF80  }
0x5a: {  	[tilespmem:s16], [sflag:$0x2] =	stream.linear.gather [hbm4b:s31+s3], $0x80, $0x38;
	[tilespmem:$0x18100] =	vst v63  }
0x5b: {  	_ =	swait.ge [sflag:s15], $0x80  }
0x5c: {  	[sflag:s15] =	ssyncset.done $0x0  }
0x5d: {  	[sflag:s15] =	ssyncadd.s32 $0xFFFFFF80  }
0x5e: {  	[tilespmem:s14], [sflag:$0x1] =	stream.indirect.gather [hbm4b:s4+s16], $0x80, s3, s16, $0xb8;
	[tilespmem:$0x18100] =	vst v63  }
0x5f: {  	_ =	swait.ge [sflag:s17], $0x4000  }
0x60: {  	[sflag:s17] =	ssyncset.done $0x0  }
0x61: {  	[sflag:s17] =	ssyncadd.s32 $0xFFFFC000  }
0x62: {  	[spmem:s2] =	stream.indirect.scatter.add.f32 [tilespmem:s14], [sflag:$0x2], $0x80, s16, s16, $0xb8;
	[tilespmem:$0x18100] =	vst v63  }
0x63: {  	_ =	swait.ge [sflag:s15], $0x4000  }
0x64: {  	s20 =	sadd.s32 $0x1, s20;
	[sflag:s15] =	ssyncset.done $0x0  }
0x65: {  	p0 =	sne.s32 s20, s11;
	[sflag:s15] =	ssyncadd.s32 $0xFFFFC000  }
.Ltmp2:
0x66: {  	[bflag:$0x0] =	sbarrier.arrive $0xFFFF;
	(pc) =	sbr.rel @p0 .LBB2_1-.Ltmp2, $4  }
0x67: {  	[hbm:s10], [sflag:s18] =	dma.local [spmem:s19], $0x2800  }
0x68: {  	_ =	swait.ge [sflag:s15], $0x2800  }
0x69: {  	[sflag:s15] =	ssyncset.done $0x0  }
0x6a: {  	[sflag:s15] =	ssyncadd.s32 $0xFFFFD800  }
0x6b: {  	_ =	sfence.sel $0x180000  }
0x6c: {  	[bflag:$0x0] =	sbarrier.arrive $0xFFFF  }
0x6d: {  	p0 =	sne.s32 s1, $0x0;
	_ =	strace $0x9000004D  }
0x6e: {  	s0 =	sadd.s32 @!p0 $0x100000, s0;
	[bflag:$0x2] =	sbarrier.arrive $0xFFFF  }
0x6f: {  	[sflag:s0] =	ssyncadd.tile.s32 @!p0 $0x1;
	_ =	shalt  }
.Lfunc_end2:
_tile_overlayer_lowered:
.L_overlay_start_2:
0x70: {  	(tag) =	ssettag $0x2  }
0x71: {  	s0 =	rddreg [dreg:$0x0];
	s2 =	stileid.u32  }
0x72: {  	s1 =	rddreg [dreg:$0x1];
	p0 =	sne.s32 s2, $0x0  }
0x73: {  	s3 =	rddreg [dreg:$0x2];
	[bflag:$0x3] =	sbarrier.arrive $0xFFFF;
	s2 =	simm.s32 @!p0 $0x1C02  }
0x74: {  	[timem:s3], [sflag:s2] =	dma.local @!p0 [hbm:s0], s1  }
0x75: {  	s0 =	simm.s32 @!p0 $0x2  }
0x76: {  	_ =	swait.ge @!p0 [sflag:s0], s1  }
0x77: {  	s1 =	ssub.s32 @!p0 $0x0, s1;
	[sflag:s0] =	ssyncset.done @!p0 $0x0  }
0x78: {  	[sflag:s0] =	ssyncadd.s32 @!p0 s1  }
0x79: {  	[bflag:$0x3] =	sbarrier.arrive $0xFFFF  }
0x7a: {  	_ =	shalt  }

// kernel: kernel.9.cloned.1.call-start
scs
__scs_entry_jumppad:
0x0: {  	(pc) =	sbr.rel $0x88, $3  }
0x1: {  	(tag) =	ssettag $0x0;
	lr =	simm.s32 $0x1  }
0x2: {  	[smem:$0x3F97] =	sst lr;
	_ =	strace $0xD0000000  }
0x3: {  	_ = 	snop  }
0x4: {  	_ = 	snop  }
0x5: {  	_ = 	snop  }
0x6: {  	_ = 	snop  }
0x7: {  	_ = 	snop  }
__scs_overlays_trampoline_lowered:
0x8: {  	[smem:$0x3FA6] =	sst s0  }
0x9: {  	[smem:$0x3FA7] =	sst s1  }
0xa: {  	[smem:$0x3FA8] =	sst s2  }
0xb: {  	[smem:$0x3FA9] =	sst s3  }
0xc: {  	[smem:$0x3FAA] =	sst s4  }
0xd: {  	[smem:$0x3FAB] =	sst s5  }
0xe: {  	[smem:$0x3FAC] =	sst s6  }
0xf: {  	[smem:$0x3FAD] =	sst s7  }
0x10: {  	[smem:$0x3FAE] =	sst s8  }
0x11: {  	[smem:$0x3FAF] =	sst s9;
	s0 =	simm.s32 @!p0 $0x0  }
0x12: {  	s1 =	sld [smem:$0x3F95];
	s0 =	simm.s32 @p0 $0x1  }
0x13: {  	[smem:$0x3FB0] =	sst s0;
	s0 =	simm.s32 @!p1 $0x0  }
0x14: {  	s2 =	sld [smem:$0x3F94];
	s0 =	simm.s32 @p1 $0x1  }
0x15: {  	[smem:$0x3FB1] =	sst s0;
	s0 =	simm.s32 @!p2 $0x0  }
0x16: {  	s3 =	sld [smem:$0x3FDB];
	s0 =	simm.s32 @p2 $0x1  }
0x17: {  	s4 =	simm.s32 $0x1BF5;
	[smem:$0x3FB3] =	sst s0  }
0x18: {  	s0 =	sld [smem:$0x3F96];
	_ =	swait.ge [sflag:s4], $0x0  }
0x19: {  	s7 =	sld [smem:$0x3F97]  }
0x1a: {  	s8 =	sadd.s32 $0xFFFFE003, lr  }
0x1b: {  	s9 =	sadd.s32 $0xFFFFFEF7, lr;
	s5 =	simm.s32 $0xFFFFFFFF;
	p2 =	slt.u32 s8, $0xFFFFF086  }
0x1c: {  	p1 =	slt.u32 s9, $0xF7A;
	s5 =	simm.s32 @!p2 $0x0  }
0x1d: {  	s5 =	simm.s32 @p1 $0x1;
	p0 =	seq.s32 s7, s2  }
0x1e: {  	s7 =	smul.u32 @!p0 $0xF7A, s2;
	p2 =	seq.s32 @!p0 s5, $0x0  }
0x1f: {  	s9 =	smul.u32 $0xF7A, s1;
	s8 =	simm.s32 @!p0 $0x1BF5;
	p2 =	por !p2, p0  }
0x20: {  	[sflag:s8] =	ssyncset.s32 @!p0 $0xFFFFF086;
	s6 =	sadd.s32 @!p0 s3, s7;
	s7 =	simm.s32 @!p0 $0x108  }
0x21: {  	s3 =	sadd.s32 s3, s9;
	s6 =	sadd.s32 @!p0 $0x88, s6;
	s7 =	simm.s32 @p2 $0x1082  }
0x22: {  	[simem:s7], [sflag:s8] =	dma.local @!p0 [hbm:s6], $0xF7A  }
0x23: {  	s9 =	sor.u32 $0xD0000000, s2;
	s6 =	simm.s32 $0x108;
	_ =	swait.ge @!p0 [sflag:s8], $0x0  }
0x24: {  	s3 =	sadd.s32 $0x88, s3;
	s6 =	simm.s32 @!p1 $0x1082;
	[sflag:s4] =	ssyncset.s32 $0xFFFFF086  }
0x25: {  	[simem:s6], [sflag:s4] =	dma.local [hbm:s3], $0xF7A  }
0x26: {  	[smem:$0x3F97] =	sst s1;
	(tag) =	ssettag s2;
	_ =	strace s9  }
0x27: {  	s1 =	sld [smem:$0x3FA7]  }
0x28: {  	s2 =	sld [smem:$0x3FA8]  }
0x29: {  	s4 =	sld [smem:$0x3FAA]  }
0x2a: {  	p0 =	seq.s32 s5, $0x0;
	s5 =	sld [smem:$0x3FAB]  }
0x2b: {  	s6 =	sld [smem:$0x3FAC]  }
0x2c: {  	s7 =	sld [smem:$0x3FAD]  }
0x2d: {  	s3 =	simm.s32 $0x108;
	s8 =	sld [smem:$0x3FAE]  }
0x2e: {  	s3 =	simm.s32 @!p0 $0x1082;
	s9 =	sld [smem:$0x3FAF]  }
0x2f: {  	lr =	sadd.s32 s0, s3;
	s0 =	sld [smem:$0x3FA6]  }
0x30: {  	s3 =	sld [smem:$0x3FA9]  }
0x31: {  	[smem:$0x3FB2] =	sst s10  }
0x32: {  	s10 =	sld [smem:$0x3FB0];
	_ =	sdelay $0x3  }
0x33: {  	p0 =	seq.s32 s10, $0x1;
	s10 =	sld [smem:$0x3FB2];
	_ =	sdelay $0x3  }
0x34: {  	[smem:$0x3FB2] =	sst s10  }
0x35: {  	s10 =	sld [smem:$0x3FB1];
	_ =	sdelay $0x3  }
0x36: {  	p1 =	seq.s32 s10, $0x1;
	s10 =	sld [smem:$0x3FB2];
	_ =	sdelay $0x3  }
0x37: {  	[smem:$0x3FB2] =	sst s10  }
0x38: {  	s10 =	sld [smem:$0x3FB3]  }
0x39: {  	_ = 	snop;
	(pc) =	sbr.ind lr, $3  }
0x3a: {  	_ = 	snop  }
0x3b: {  	_ = 	snop  }
0x3c: {  	p2 =	seq.s32 s10, $0x1;
	s10 =	sld [smem:$0x3FB2]  }
0x3d: {  	_ =	shalt  }
0x3e: {  	_ =	shalt  }
0x3f: {  	_ =	shalt  }
0x40: {  	_ =	shalt  }
0x41: {  	_ =	shalt  }
0x42: {  	_ =	shalt  }
0x43: {  	_ =	shalt  }
0x44: {  	_ =	shalt  }
0x45: {  	_ =	shalt  }
0x46: {  	_ =	shalt  }
0x47: {  	_ =	shalt  }
0x48: {  	_ =	shalt  }
0x49: {  	_ =	shalt  }
0x4a: {  	_ =	shalt  }
0x4b: {  	_ =	shalt  }
0x4c: {  	_ =	shalt  }
0x4d: {  	_ =	shalt  }
0x4e: {  	_ =	shalt  }
0x4f: {  	_ =	shalt  }
0x50: {  	_ =	shalt  }
0x51: {  	_ =	shalt  }
0x52: {  	_ =	shalt  }
0x53: {  	_ =	shalt  }
0x54: {  	_ =	shalt  }
0x55: {  	_ =	shalt  }
0x56: {  	_ =	shalt  }
0x57: {  	_ =	shalt  }
0x58: {  	_ =	shalt  }
0x59: {  	_ =	shalt  }
0x5a: {  	_ =	shalt  }
0x5b: {  	_ =	shalt  }
0x5c: {  	_ =	shalt  }
0x5d: {  	_ =	shalt  }
0x5e: {  	_ =	shalt  }
0x5f: {  	_ =	shalt  }
0x60: {  	_ =	shalt  }
0x61: {  	_ =	shalt  }
0x62: {  	_ =	shalt  }
0x63: {  	_ =	shalt  }
0x64: {  	_ =	shalt  }
0x65: {  	_ =	shalt  }
0x66: {  	_ =	shalt  }
0x67: {  	_ =	shalt  }
0x68: {  	_ =	shalt  }
0x69: {  	_ =	shalt  }
0x6a: {  	_ =	shalt  }
0x6b: {  	_ =	shalt  }
0x6c: {  	_ =	shalt  }
0x6d: {  	_ =	shalt  }
0x6e: {  	_ =	shalt  }
0x6f: {  	_ =	shalt  }
0x70: {  	_ =	shalt  }
0x71: {  	_ =	shalt  }
0x72: {  	_ =	shalt  }
0x73: {  	_ =	shalt  }
0x74: {  	_ =	shalt  }
0x75: {  	_ =	shalt  }
0x76: {  	_ =	shalt  }
0x77: {  	_ =	shalt  }
0x78: {  	_ =	shalt  }
0x79: {  	_ =	shalt  }
0x7a: {  	_ =	shalt  }
0x7b: {  	_ =	shalt  }
0x7c: {  	_ =	shalt  }
0x7d: {  	_ =	shalt  }
0x7e: {  	_ =	shalt  }
0x7f: {  	_ =	shalt  }
0x80: {  	_ =	shalt  }
0x81: {  	_ =	shalt  }
0x82: {  	_ =	shalt  }
0x83: {  	_ =	shalt  }
0x84: {  	_ =	shalt  }
0x85: {  	_ =	shalt  }
0x86: {  	_ =	shalt  }
0x87: {  	_ =	shalt  }
.Lfunc_end0:
.L_simem_size_0:
called_computation_lowered:
.L_overlay_start_0:
0x88: {  	s2 =	sld [smem:$0x3FD9]  }
0x89: {  	s3 =	sld [smem:$0x3FFE];
	_ =	sdelay $0x1  }
0x8a: {  	s1 =	srdreg.scid  }
0x8b: {  	s0 =	sand.u32 $0x1, s1  }
0x8c: {  	s16 =	sshll.u32 s0, $0xA;
	s2 =	sadd.s32 s3, s2  }
0x8d: {  	s2 =	sadd.s32 s2, s16  }
0x8e: {  	[smem:$0x3FBE] =	sst s2  }
0x8f: {  	_ = 	snop  }
0x90: {  	(tm) =	ssettm $0x1  }
0x91: {  	s17 =	sld [smem:$0x3FFB];
	_ =	sdelay $0x3  }
0x92: {  	_ =	strace s17  }
0x93: {  	s2 =	sld [smem:$0x3FFC];
	_ =	sdelay $0x3  }
0x94: {  	_ =	strace s2  }
0x95: {  	s2 =	sld [smem:$0x3FFD];
	_ =	sdelay $0x3  }
0x96: {  	_ =	strace s2  }
0x97: {  	_ =	strace $0x8FFFFFFF  }
0x98: {  	s18 =	sld [smem:$0x3FDB];
	_ =	sdelay $0x1  }
0x99: {  	s19 =	simm.s32 $_scs_section_size  }
0x9a: {  	s4 =	simm.s32 $_size__tile_overlayer_lowered;
	s5 =	simm.s32 $_tile_overlayer_lowered  }
0x9b: {  	s22 =	simm.s32 $0x1BFF;
	s21 =	sshll.u32 s5, $0x1;
	s2 =	sadd.s32 s19, s18  }
0x9c: {  	s6 =	simm.s32 $0x0;
	s20 =	sshll.u32 s4, $0x1;
	s4 =	sadd.s32 s21, s2  }
0x9d: {  	[timem:s6], [sflag:s22] =	dma.local [hbm:s4], s20  }
0x9e: {  	_ =	swait.ge [sflag:s22], s20  }
0x9f: {  	s3 =	ssub.s32 $0x0, s20;
	[sflag:s22] =	ssyncset.done $0x0  }
0xa0: {  	[sflag:s22] =	ssyncadd.s32 s3;
	_ =	sdelay $0x1  }
0xa1: {  	s23 =	simm.s32 $0x1B8B  }
0xa2: {  	_ =	swait.ge [sflag:s23], $0x1  }
0xa3: {  	[sflag:s23] =	ssyncset.done $0x0  }
0xa4: {  	s25 =	simm.s32 $0x1B8E;
	s24 =	sld [smem:$0x3FFE];
	[sflag:s23] =	ssyncadd.s32 $0xFFFFFFFF  }
0xa5: {  	s26 =	simm.s32 $execute0_lowered;
	[smem:$0x3FD2] =	sst s25  }
0xa6: {  	s4 =	sshll.u32 s26, $0x1;
	_ =	strace $0x80000046;
	[dreg:$0x1] =	wrdreg $0xFFFFFFFF  }
0xa7: {  	s28 =	simm.s32 $_size_execute0_lowered;
	s2 =	sadd.s32 s2, s4;
	[dreg:$0x0] =	wrdreg $0x0  }
0xa8: {  	s4 =	sshll.u32 s28, $0x1;
	[dreg:$0x2] =	wrdreg s2  }
0xa9: {  	[dreg:$0x3] =	wrdreg s4  }
0xaa: {  	[dreg:$0x4] =	wrdreg $0xC0  }
0xab: {  	_ =	task [dreg:s6], $0x5FFFF  }
0xac: {  	[dreg:$0x1] =	wrdreg $0xFFFFFFFF  }
0xad: {  	[dreg:$0x0] =	wrdreg $0x60  }
0xae: {  	[dreg:$0x2] =	wrdreg s24  }
0xaf: {  	[dreg:$0x3] =	wrdreg $0x3800  }
0xb0: {  	[dreg:$0x4] =	wrdreg $0x9  }
0xb1: {  	_ =	task.clear_ibuf [dreg:s6], $0x5FFFF;
	_ =	strace $0x90000046  }
0xb2: {  	s29 =	simm.s32 $0x9;
	_ =	strace $0x80000048  }
0xb3: {  	_ =	swait.ge [sflag:s29], $0x1  }
0xb4: {  	[sflag:s29] =	ssyncadd.s32 $0xFFFFFFFF  }
0xb5: {  	_ =	strace $0x90000048  }
0xb6: {  	_ =	sfence  }
0xb7: {  	s30 =	sld [smem:$0x0];
	_ =	sdelay $0x2  }
0xb8: {  	s31 =	sshll.u32 s1, $0xD;
	s1 =	sshrl.u32 s1, $0x2  }
0xb9: {  	s3 =	sand.u32 $0x4000, s31;
	s1 =	sadd.s32 s1, s30  }
0xba: {  	s0 =	sor.u32 s3, s0;
	s1 =	sshll.u32 s1, $0x11  }
0xbb: {  	s0 =	sor.u32 s1, s0  }
0xbc: {  	s0 =	sadd.s32 $0x8F2B, s0  }
0xbd: {  	[sflag:s0] =	ssyncadd.remote.s32 $0x1  }
0xbe: {  	_ =	sfence.sel $0xFFFF  }
0xbf: {  	[dreg:$0x0] =	wrdreg $0xFFFFFFFF;
	(pc) =	sbr.abs _section_cstart, $3  }
0xc0: {  	[dreg:$0x1] =	wrdreg $0xFFFFFFFF  }
0xc1: {  	_ =	task.clear_ibuf [dreg:s6], $0x2FFFF;
	_ =	strace $0x9FFFFFFF  }
0xc2: {  	(tm) =	ssettm $0x7FFFFFFF  }
0xc3: {  	_ =	shalt  }
tec
execute0_lowered:
.L_overlay_start_1:
0x0: {  	(tag) =	ssettag $0x1  }
0x1: {  	s4 =	rddreg [dreg:$0x0]  }
0x2: {  	s2 =	rddreg [dreg:$0x1]  }
0x3: {  	s0 =	rddreg [dreg:$0x2]  }
0x4: {  	s1 =	stileid.u32;
	s3 =	simm.s32 $0x0;
	s6 =	srdreg.scid  }
0x5: {  	s10 =	simm.s32 $0x80;
	s13 =	simm.s32 $0x20;
	s5 =	smul.u32 $0x9E0, s1  }
0x6: {  	s14 =	simm.s32 $0x10;
	s15 =	simm.s32 $0x0;
	s7 =	smul.u32 $0x500, s1  }
0x7: {  	[smem:$0x7FF] =	sst s3;
	s6 =	sand.u32 $0x1, s6;
	s29 =	smul.u32 $0xA00, s1  }
0x8: {  	s11 =	sshll.u32 s1, $0x6;
	_ =	strace $0x80000047;
	s8 =	sshll.u32 s6, $0x7  }
0x9: {  	s9 =	ssub.s32 $0x2, s6;
	s6 =	smul.u32 $0x4F0, s6;
	s11 =	sor.u32 $0x1C01, s11  }
0xa: {  	s5 =	sadd.s32 s5, s4;
	s7 =	sor.u32 s8, s7;
	s30 =	sshrl.u32 s9, $0x1  }
0xb: {  	s8 =	sshrl.u32 s29, $0x2;
	s7 =	sshrl.u32 s7, $0x3;
	s9 =	ssub.s32 s9, s30  }
0xc: {  	s31 =	sadd.s32 s6, s5;
	s7 =	sadd.s32 s7, s4;
	s4 =	sadd.s32 s8, s2  }
0xd: {  	s6 =	smax.u32 s9, $0x1;
	s8 =	simm.s32 $0x100;
	s9 =	simm.s32 $0x1  }
0xe: {  	v0 =	vimm.f32 $1.000000000e+00;
	v1 =	vimm.f32 $0.0e+00;
	s5 =	sadd.s32 $0xD000, s7;
	s7 =	sadd.s32 $0x3200, s31;
	s12 =	sshrl.u32 s4, $0x3  }
.LBB2_1:
0xf: {  	[tilespmem:$0x80] =	vst v0  }
0x10: {  	[tilespmem:$0x90] =	vst v0  }
0x11: {  	[tilespmem:$0xA0] =	vst v0  }
0x12: {  	[tilespmem:$0xB0] =	vst v0  }
0x13: {  	[tilespmem:$0xC0] =	vst v0  }
0x14: {  	[tilespmem:$0xD0] =	vst v0  }
0x15: {  	[tilespmem:$0xE0] =	vst v0  }
0x16: {  	[tilespmem:$0xF0] =	vst v0  }
0x17: {  	[tilespmem:$0x100] =	vst v1  }
0x18: {  	[tilespmem:$0x110] =	vst v1  }
0x19: {  	[tilespmem:$0x120] =	vst v1  }
0x1a: {  	[tilespmem:$0x130] =	vst v1  }
0x1b: {  	[tilespmem:$0x140] =	vst v1  }
0x1c: {  	[tilespmem:$0x150] =	vst v1  }
0x1d: {  	[tilespmem:$0x160] =	vst v1  }
0x1e: {  	[tilespmem:$0x170] =	vst v1  }
0x1f: {  	[tilespmem:$0x180] =	vst v1  }
0x20: {  	[tilespmem:$0x190] =	vst v1  }
0x21: {  	[tilespmem:$0x1A0] =	vst v1  }
0x22: {  	[tilespmem:$0x1B0] =	vst v1  }
0x23: {  	[tilespmem:$0x1C0] =	vst v1  }
0x24: {  	[tilespmem:$0x1D0] =	vst v1  }
0x25: {  	[tilespmem:$0x1E0] =	vst v1  }
0x26: {  	[tilespmem:$0x1F0] =	vst v1  }
0x27: {  	[tilespmem:$0x200] =	vst v1  }
0x28: {  	[tilespmem:$0x210] =	vst v1  }
0x29: {  	[tilespmem:$0x220] =	vst v1  }
0x2a: {  	[tilespmem:$0x230] =	vst v1  }
0x2b: {  	[tilespmem:$0x240] =	vst v1  }
0x2c: {  	[tilespmem:$0x250] =	vst v1  }
0x2d: {  	[tilespmem:$0x260] =	vst v1  }
0x2e: {  	[tilespmem:$0x270] =	vst v1  }
0x2f: {  	[tilespmem:$0x280] =	vst v1  }
0x30: {  	[tilespmem:$0x290] =	vst v1  }
0x31: {  	[tilespmem:$0x2A0] =	vst v1  }
0x32: {  	[tilespmem:$0x2B0] =	vst v1  }
0x33: {  	[tilespmem:$0x2C0] =	vst v1  }
0x34: {  	[tilespmem:$0x2D0] =	vst v1  }
0x35: {  	[tilespmem:$0x2E0] =	vst v1  }
0x36: {  	[tilespmem:$0x2F0] =	vst v1  }
0x37: {  	[tilespmem:$0x300] =	vst v1  }
0x38: {  	[tilespmem:$0x310] =	vst v1  }
0x39: {  	[tilespmem:$0x320] =	vst v1  }
0x3a: {  	[tilespmem:$0x330] =	vst v1  }
0x3b: {  	[tilespmem:$0x340] =	vst v1  }
0x3c: {  	[tilespmem:$0x350] =	vst v1  }
0x3d: {  	[tilespmem:$0x360] =	vst v1  }
0x3e: {  	[tilespmem:$0x370] =	vst v1  }
0x3f: {  	[spmem:s4] =	stream.linear.scatter [tilespmem:s8], [sflag:$0x1], $0x280, $0x38;
	[tilespmem:$0x600] =	vst v63  }
0x40: {  	_ =	swait.ge [sflag:s9], $0x280  }
0x41: {  	[sflag:s9] =	ssyncset.done $0x0  }
0x42: {  	[sflag:s9] =	ssyncadd.s32 $0xFFFFFD80  }
0x43: {  	s16 =	sadd.s32 $0x0, s7;
	[bflag:$0x0] =	sbarrier.arrive $0xFFFF  }
0x44: {  	[tilespmem:s3], [sflag:$0x1] =	stream.linear.gather [hbm4b:s16+s3], $0x80, $0x38;
	[tilespmem:$0x600] =	vst v63  }
0x45: {  	_ =	swait.ge [sflag:s9], $0x80  }
0x46: {  	[sflag:s9] =	ssyncset.done $0x0  }
0x47: {  	[sflag:s9] =	ssyncadd.s32 $0xFFFFFF80  }
0x48: {  	[spmem:s2] =	stream.indirect.scatter.add.f32 [tilespmem:s10], [sflag:$0x1], $0x1, s3, s10, $0xb8;
	[tilespmem:$0x600] =	vst v63  }
0x49: {  	_ =	swait.ge [sflag:s9], $0x80  }
0x4a: {  	s17 =	simm.s32 $0x20;
	s16 =	simm.s32 $0x10;
	[sflag:s9] =	ssyncset.done $0x0  }
.LBB2_2:
0x4b: {  	s18 =	sadd.s32 s16, s7  }
0x4c: {  	[sflag:s9] =	ssyncadd.s32 $0xFFFFFF80;
	s16 =	smov.u32 s17;
	s19 =	sadd.s32 $0x10, s17  }
0x4d: {  	[tilespmem:s3], [sflag:$0x1] =	stream.linear.gather [hbm4b:s18+s3], $0x80, $0x38;
	[tilespmem:$0x600] =	vst v63  }
0x4e: {  	p0 =	sne.s32 s17, $0x4E0;
	_ =	swait.ge [sflag:s9], $0x80  }
.Ltmp0:
0x4f: {  	[sflag:s9] =	ssyncset.done $0x0;
	(pc) =	sbr.rel @p0 .LBB2_2-.Ltmp0, $4  }
0x50: {  	[sflag:s9] =	ssyncadd.s32 $0xFFFFFF80  }
0x51: {  	[spmem:s2] =	stream.indirect.scatter.add.f32 [tilespmem:s10], [sflag:$0x1], $0x1, s3, s10, $0xb8;
	[tilespmem:$0x600] =	vst v63  }
0x52: {  	_ =	swait.ge [sflag:s9], $0x80  }
0x53: {  	s17 =	smov.u32 s19;
	[sflag:s9] =	ssyncset.done $0x0  }
0x54: {  	s16 =	sadd.s32 s16, s7;
	[sflag:s9] =	ssyncadd.s32 $0xFFFFFF80  }
0x55: {  	[tilespmem:s3], [sflag:$0x1] =	stream.linear.gather [hbm4b:s16+s3], $0x80, $0x38;
	[tilespmem:$0x600] =	vst v63  }
0x56: {  	_ =	swait.ge [sflag:s9], $0x80  }
0x57: {  	[sflag:s9] =	ssyncset.done $0x0  }
0x58: {  	[sflag:s9] =	ssyncadd.s32 $0xFFFFFF80  }
0x59: {  	[spmem:s2] =	stream.indirect.scatter.add.f32 [tilespmem:s10], [sflag:$0x1], $0x1, s3, s10, $0xb8;
	[tilespmem:$0x600] =	vst v63  }
0x5a: {  	_ =	swait.ge [sflag:s9], $0x80  }
0x5b: {  	s15 =	sadd.s32 $0x1, s15;
	[sflag:s9] =	ssyncset.done $0x0  }
0x5c: {  	p0 =	sne.s32 s15, s6;
	[sflag:s9] =	ssyncadd.s32 $0xFFFFFF80  }
.Ltmp1:
0x5d: {  	[bflag:$0x0] =	sbarrier.arrive $0xFFFF;
	(pc) =	sbr.rel @p0 .LBB2_1-.Ltmp1, $4  }
0x5e: {  	[hbm:s5@s13], [sflag:s11] =	dma.strided [spmem:s12@s14], $0x50, s9, $0x10   }
0x5f: {  	_ =	swait.ge [sflag:s9], $0x50  }
0x60: {  	[sflag:s9] =	ssyncset.done $0x0  }
0x61: {  	[sflag:s9] =	ssyncadd.s32 $0xFFFFFFB0  }
0x62: {  	_ =	sfence.sel $0x180000  }
0x63: {  	[bflag:$0x0] =	sbarrier.arrive $0xFFFF  }
0x64: {  	p0 =	sne.s32 s1, $0x0;
	_ =	strace $0x90000047  }
0x65: {  	s0 =	sadd.s32 @!p0 $0x100000, s0;
	[bflag:$0x2] =	sbarrier.arrive $0xFFFF  }
0x66: {  	[sflag:s0] =	ssyncadd.tile.s32 @!p0 $0x1;
	_ =	shalt  }
.Lfunc_end2:
_tile_overlayer_lowered:
.L_overlay_start_2:
0x67: {  	(tag) =	ssettag $0x2  }
0x68: {  	s0 =	rddreg [dreg:$0x0];
	s2 =	stileid.u32  }
0x69: {  	s1 =	rddreg [dreg:$0x1];
	p0 =	sne.s32 s2, $0x0  }
0x6a: {  	s3 =	rddreg [dreg:$0x2];
	[bflag:$0x3] =	sbarrier.arrive $0xFFFF;
	s2 =	simm.s32 @!p0 $0x1C01  }
0x6b: {  	[timem:s3], [sflag:s2] =	dma.local @!p0 [hbm:s0], s1  }
0x6c: {  	s0 =	simm.s32 @!p0 $0x1  }
0x6d: {  	_ =	swait.ge @!p0 [sflag:s0], s1  }
0x6e: {  	s1 =	ssub.s32 @!p0 $0x0, s1;
	[sflag:s0] =	ssyncset.done @!p0 $0x0  }
0x6f: {  	[sflag:s0] =	ssyncadd.s32 @!p0 s1  }
0x70: {  	[bflag:$0x3] =	sbarrier.arrive $0xFFFF  }
0x71: {  	_ =	shalt  }

</sc_bundles>
